<compile_context>
chip_gen: v7x
topology: tpu7x:2x2x1
jax: 0.10.2.dev20260603
libtpu: 0.0.44.dev20260713+nightly
codegen_flags: <defaults>
</compile_context>

<pallas_src>
import functools

import jax
import jax.numpy as jnp
from jax import lax
from jax.experimental import pallas as pl
from jax.experimental.pallas import tpu as pltpu
from jax.experimental.pallas import tpu_sc as plsc

_B = 4096
_D = 8192
_NC = 2
_NS = 16
_NW = _NC * _NS
_BPW = _B // _NW
_C = 2
_NCHUNK = _BPW // _C
_NBUF = 4
_NGRP = _NCHUNK // _NBUF


def _make_permute():
    mesh = plsc.VectorSubcoreMesh(core_axis_name="c", subcore_axis_name="s")

    @functools.partial(
        pl.kernel,
        mesh=mesh,
        out_type=jax.ShapeDtypeStruct((_B, _D), jnp.float32),
        scratch_types=[
            pltpu.VMEM((_NCHUNK, _C), jnp.int32),
            pltpu.VMEM((_NBUF, _C, _D), jnp.float32),
            pltpu.SemaphoreType.DMA((_NBUF,)),
            pltpu.SemaphoreType.DMA((_NBUF,)),
        ],
    )
    def permute(x_hbm, perm_hbm, out_hbm, idx_v, rows_v, gsem, ssem):
        wid = lax.axis_index("s") * _NC + lax.axis_index("c")
        base = wid * _BPW
        pltpu.sync_copy(perm_hbm.at[wid], idx_v)

        def gather(ci, b):
            pltpu.async_copy(x_hbm.at[idx_v.at[ci]], rows_v.at[b], gsem.at[b])

        def wait_gather(ci, b):
            pltpu.make_async_copy(
                x_hbm.at[idx_v.at[ci]], rows_v.at[b], gsem.at[b]).wait()

        def store(ci, b):
            pltpu.async_copy(
                rows_v.at[b], out_hbm.at[pl.ds(base + ci * _C, _C)], ssem.at[b])

        def wait_store(ci, b):
            pltpu.make_async_copy(
                rows_v.at[b], out_hbm.at[pl.ds(base + ci * _C, _C)],
                ssem.at[b]).wait()

        def body(g, carry):
            for b in range(_NBUF):
                ci = g * _NBUF + b
                @pl.when(g >= 1)
                def _():
                    wait_store(ci - _NBUF, b)
                gather(ci, b)
                bp = (b + _NBUF - 1) % _NBUF
                if b == 0:
                    @pl.when(g >= 1)
                    def _():
                        wait_gather(ci - 1, bp)
                        store(ci - 1, bp)
                else:
                    wait_gather(ci - 1, bp)
                    store(ci - 1, bp)
            return carry

        lax.fori_loop(0, _NGRP, body, 0)

        last = _NCHUNK - 1
        bl = last % _NBUF
        wait_gather(last, bl)
        store(last, bl)
        for b in range(_NBUF):
            ci = _NCHUNK - _NBUF + b
            wait_store(ci, ci % _NBUF)

    return permute


_permute = _make_permute()


@jax.jit
def kernel(x, perm):
    perm3 = perm.astype(jnp.int32).reshape(_NW, _NCHUNK, _C)
    return _permute(x, perm3)

# --- scband reference (transcript-rebuilt; emitter-appended) ---
"""Pipeline reference for scband-permutation-22058952032605 (READ-ONLY COPY).

The authoritative reference and input builder live on the scoring server;
editing this copy changes nothing except your own understanding.
"""

import jax, jax.numpy as jnp
import numpy as np


def setup_inputs(seed: int = 0) -> dict:
    key = jax.random.key(seed)
    k1, k2 = jax.random.split(key)
    x = jax.random.normal(k1, (4096, 8192), dtype=jnp.float32)
    # Learned/buffer state: fixed random permutation over channels (dim 0),
    # mirroring torch.randperm(channels) in __init__.
    perm = jax.random.permutation(k2, 4096)
    return {"x": x, "perm": perm}


def reference(x, perm):
    # Faithful translation of forward(x, log_jac_det=None, rev=False):
    #   returns (x[self.perm], log_jac_det). log_jac_det is None / passthrough,
    #   so the forward output is the row-gather x[perm].
    out = jnp.take(x, perm, axis=0)
    return out

if __name__ == "__main__":
    import jax
    _d = setup_inputs()
    print(jax.jit(kernel)(*tuple(_d.values())))

</pallas_src>

<mosaic_0001>
#map = affine_map<(d0, d1) -> (0, 0)>
#map1 = affine_map<(d0, d1) -> (0, 0, 0)>
module attributes {stable_mosaic.version = 14 : i64} {
  func.func @permute(%arg0: i32, %arg1: i32, %arg2: memref<4096x8192xf32, #tpu.memory_space<hbm>>, %arg3: memref<32x64x2xi32, #tpu.memory_space<hbm>>, %arg4: memref<4096x8192xf32, #tpu.memory_space<hbm>>, %arg5: memref<64x2xi32, #tpu.memory_space<vmem>>, %arg6: memref<4x2x8192xf32, #tpu.memory_space<vmem>>, %arg7: memref<4x!tpu.dma_semaphore, #tpu.memory_space<semaphore_mem>>, %arg8: memref<4x!tpu.dma_semaphore, #tpu.memory_space<semaphore_mem>>) attributes {dimension_semantics = [#tpu.dimension_semantics<core_parallel>, #tpu.dimension_semantics<subcore_parallel>], iteration_bounds = array<i64: 2, 16>, scalar_prefetch = 0 : i64, scratch_operands = 4 : i64, tpu.core_type = #tpu.core_type<sc_vector_subcore>, window_params = [{transform_indices = #map}, {transform_indices = #map1}, {transform_indices = #map}]} {
    %mul3A = arith.constant 2 : i32
    %mul3A_0 = arith.muli %arg1, %mul3A : i32
    %add3A = arith.addi %mul3A_0, %arg0 : i32
    %mul3A_1 = arith.constant 128 : i32
    %mul3A_2 = arith.muli %add3A, %mul3A_1 : i32
    "tpu.region"() ({
      %run_scoped3A = tpu.sem_alloc : memref<!tpu.dma_semaphore, #tpu.memory_space<semaphore_mem>>
      %dma_start3A_111 = arith.constant 0 : i32
      %dma_start3A_112 = arith.constant 0 : i32
      %dma_start3A_113 = tpu.memref_slice %arg3[%add3A, %dma_start3A_111, %dma_start3A_112] : memref<32x64x2xi32, #tpu.memory_space<hbm>> -> memref<1x64x2xi32, #tpu.memory_space<hbm>>
      %dma_start3A_114 = tpu.memref_squeeze %dma_start3A_113 : memref<1x64x2xi32, #tpu.memory_space<hbm>> -> memref<64x2xi32, #tpu.memory_space<hbm>>
      %dma_start3A_115 = arith.constant 0 : i32
      %dma_start3A_116 = arith.constant 0 : i32
      %dma_start3A_117 = tpu.memref_slice %arg3[%add3A, %dma_start3A_115, %dma_start3A_116] : memref<32x64x2xi32, #tpu.memory_space<hbm>> -> memref<1x64x2xi32, #tpu.memory_space<hbm>>
      %dma_start3A_118 = tpu.memref_squeeze %dma_start3A_117 : memref<1x64x2xi32, #tpu.memory_space<hbm>> -> memref<64x2xi32, #tpu.memory_space<hbm>>
      tpu.enqueue_dma source(%dma_start3A_118 : memref<64x2xi32, #tpu.memory_space<hbm>>) target(%arg5 : memref<64x2xi32, #tpu.memory_space<vmem>>) target_semaphore(%run_scoped3A : memref<!tpu.dma_semaphore, #tpu.memory_space<semaphore_mem>>)
      %dma_wait3A_119 = arith.constant 0 : i32
      %dma_wait3A_120 = arith.constant 0 : i32
      %dma_wait3A_121 = tpu.memref_slice %arg3[%add3A, %dma_wait3A_119, %dma_wait3A_120] : memref<32x64x2xi32, #tpu.memory_space<hbm>> -> memref<1x64x2xi32, #tpu.memory_space<hbm>>
      %dma_wait3A_122 = tpu.memref_squeeze %dma_wait3A_121 : memref<1x64x2xi32, #tpu.memory_space<hbm>> -> memref<64x2xi32, #tpu.memory_space<hbm>>
      %dma_wait3A_123 = arith.constant 0 : i32
      %dma_wait3A_124 = arith.constant 0 : i32
      %dma_wait3A_125 = tpu.memref_slice %arg3[%add3A, %dma_wait3A_123, %dma_wait3A_124] : memref<32x64x2xi32, #tpu.memory_space<hbm>> -> memref<1x64x2xi32, #tpu.memory_space<hbm>>
      %dma_wait3A_126 = tpu.memref_squeeze %dma_wait3A_125 : memref<1x64x2xi32, #tpu.memory_space<hbm>> -> memref<64x2xi32, #tpu.memory_space<hbm>>
      tpu.wait_dma2 semaphore(%run_scoped3A : memref<!tpu.dma_semaphore, #tpu.memory_space<semaphore_mem>>) src(%dma_wait3A_126 : memref<64x2xi32, #tpu.memory_space<hbm>>) dst(%arg5 : memref<64x2xi32, #tpu.memory_space<vmem>>)
      tpu.yield
    }) : () -> ()
    %scan3A = arith.constant 0 : i32
    %scan3A_3 = arith.constant 0 : i32
    %scan3A_4 = arith.constant 16 : i32
    %scan3A_5 = arith.addi %scan3A_3, %scan3A_4 : i32
    %scan3A_6 = arith.constant 1 : i32
    scf.for %scan3A_111 = %scan3A_3 to %scan3A_5 step %scan3A_6  : i32 {
      %mul3A_112 = arith.constant 4 : i32
      %mul3A_113 = arith.muli %scan3A_111, %mul3A_112 : i32
      %add3A_114 = arith.constant 0 : i32
      %add3A_115 = arith.addi %mul3A_113, %add3A_114 : i32
      %ge3A = arith.constant 1 : i32
      %ge3A_116 = arith.cmpi sge, %scan3A_111, %ge3A : i32
      %convert_element_type3A = arith.extui %ge3A_116 : i1 to i32
      %cond3A = arith.constant 0 : i32
      %cond3A_117 = arith.cmpi ne, %convert_element_type3A, %cond3A : i32
      scf.if %cond3A_117 {
        %sub3A_316 = arith.constant 4 : i32
        %sub3A_317 = arith.subi %add3A_115, %sub3A_316 : i32
        %mul3A_318 = arith.constant 2 : i32
        %mul3A_319 = arith.muli %sub3A_317, %mul3A_318 : i32
        %add3A_320 = arith.addi %mul3A_2, %mul3A_319 : i32
        %dma_wait3A_321 = arith.constant 0 : i32
        %dma_wait3A_322 = arith.constant 0 : i32
        %dma_wait3A_323 = arith.constant 0 : i32
        %dma_wait3A_324 = arith.constant 0 : i32
        %dma_wait3A_325 = tpu.memref_slice %arg6[%dma_wait3A_321, %dma_wait3A_323, %dma_wait3A_324] : memref<4x2x8192xf32, #tpu.memory_space<vmem>> -> memref<1x2x8192xf32, #tpu.memory_space<vmem>>
        %dma_wait3A_326 = tpu.memref_squeeze %dma_wait3A_325 : memref<1x2x8192xf32, #tpu.memory_space<vmem>> -> memref<2x8192xf32, #tpu.memory_space<vmem>>
        %dma_wait3A_327 = arith.constant 0 : i32
        %dma_wait3A_328 = tpu.memref_slice %arg4[%add3A_320, %dma_wait3A_327] : memref<4096x8192xf32, #tpu.memory_space<hbm>> -> memref<2x8192xf32, #tpu.memory_space<hbm>>
        %dma_wait3A_329 = tpu.memref_slice %arg8[%dma_wait3A_322] : memref<4x!tpu.dma_semaphore, #tpu.memory_space<semaphore_mem>> -> memref<1x!tpu.dma_semaphore, #tpu.memory_space<semaphore_mem>>
        %dma_wait3A_330 = tpu.memref_squeeze %dma_wait3A_329 : memref<1x!tpu.dma_semaphore, #tpu.memory_space<semaphore_mem>> -> memref<!tpu.dma_semaphore, #tpu.memory_space<semaphore_mem>>
        %dma_wait3A_331 = arith.constant 0 : i32
        %dma_wait3A_332 = tpu.memref_slice %arg4[%add3A_320, %dma_wait3A_331] : memref<4096x8192xf32, #tpu.memory_space<hbm>> -> memref<2x8192xf32, #tpu.memory_space<hbm>>
        %dma_wait3A_333 = arith.constant 0 : i32
        %dma_wait3A_334 = arith.constant 0 : i32
        %dma_wait3A_335 = tpu.memref_slice %arg6[%dma_wait3A_321, %dma_wait3A_333, %dma_wait3A_334] : memref<4x2x8192xf32, #tpu.memory_space<vmem>> -> memref<1x2x8192xf32, #tpu.memory_space<vmem>>
        %dma_wait3A_336 = tpu.memref_squeeze %dma_wait3A_335 : memref<1x2x8192xf32, #tpu.memory_space<vmem>> -> memref<2x8192xf32, #tpu.memory_space<vmem>>
        tpu.wait_dma2 semaphore(%dma_wait3A_330 : memref<!tpu.dma_semaphore, #tpu.memory_space<semaphore_mem>>) src(%dma_wait3A_336 : memref<2x8192xf32, #tpu.memory_space<vmem>>) dst(%dma_wait3A_332 : memref<2x8192xf32, #tpu.memory_space<hbm>>)
      } else {
      }
      %dma_start3A_118 = arith.constant 0 : i32
      %dma_start3A_119 = arith.constant 0 : i32
      %dma_start3A_120 = arith.constant 0 : i32
      %dma_start3A_121 = arith.constant 0 : i32
      %dma_start3A_122 = tpu.memref_slice %arg6[%dma_start3A_118, %dma_start3A_120, %dma_start3A_121] : memref<4x2x8192xf32, #tpu.memory_space<vmem>> -> memref<1x2x8192xf32, #tpu.memory_space<vmem>>
      %dma_start3A_123 = tpu.memref_squeeze %dma_start3A_122 : memref<1x2x8192xf32, #tpu.memory_space<vmem>> -> memref<2x8192xf32, #tpu.memory_space<vmem>>
      %dma_start3A_124 = arith.constant 0 : i32
      %dma_start3A_125 = tpu.memref_slice %arg5[%add3A_115, %dma_start3A_124] : memref<64x2xi32, #tpu.memory_space<vmem>> -> memref<1x2xi32, #tpu.memory_space<vmem>>
      %dma_start3A_126 = tpu.memref_squeeze %dma_start3A_125 : memref<1x2xi32, #tpu.memory_space<vmem>> -> memref<2xi32, #tpu.memory_space<vmem>>
      %dma_start3A_127 = arith.constant 0 : i32
      %dma_start3A_128 = arith.constant 0 : i32
      %dma_start3A_129 = tpu.memref_slice %arg2[%dma_start3A_127, %dma_start3A_128] : memref<4096x8192xf32, #tpu.memory_space<hbm>> -> memref<4096x8192xf32, #tpu.memory_space<hbm>>
      %dma_start3A_130 = tpu.memref_slice %arg7[%dma_start3A_119] : memref<4x!tpu.dma_semaphore, #tpu.memory_space<semaphore_mem>> -> memref<1x!tpu.dma_semaphore, #tpu.memory_space<semaphore_mem>>
      %dma_start3A_131 = tpu.memref_squeeze %dma_start3A_130 : memref<1x!tpu.dma_semaphore, #tpu.memory_space<semaphore_mem>> -> memref<!tpu.dma_semaphore, #tpu.memory_space<semaphore_mem>>
      tpu.enqueue_indirect_dma source(%dma_start3A_129 : memref<4096x8192xf32, #tpu.memory_space<hbm>>) target(%dma_start3A_123 : memref<2x8192xf32, #tpu.memory_space<vmem>>) offsets(%dma_start3A_126 : memref<2xi32, #tpu.memory_space<vmem>>) semaphore(%dma_start3A_131 : memref<!tpu.dma_semaphore, #tpu.memory_space<semaphore_mem>>)
      %ge3A_132 = arith.constant 1 : i32
      %ge3A_133 = arith.cmpi sge, %scan3A_111, %ge3A_132 : i32
      %convert_element_type3A_134 = arith.extui %ge3A_133 : i1 to i32
      %cond3A_135 = arith.constant 0 : i32
      %cond3A_136 = arith.cmpi ne, %convert_element_type3A_134, %cond3A_135 : i32
      scf.if %cond3A_136 {
        %sub3A_316 = arith.constant 1 : i32
        %sub3A_317 = arith.subi %add3A_115, %sub3A_316 : i32
        %dma_wait3A_318 = arith.constant 3 : i32
        %dma_wait3A_319 = arith.constant 3 : i32
        %dma_wait3A_320 = arith.constant 0 : i32
        %dma_wait3A_321 = arith.constant 0 : i32
        %dma_wait3A_322 = tpu.memref_slice %arg6[%dma_wait3A_318, %dma_wait3A_320, %dma_wait3A_321] : memref<4x2x8192xf32, #tpu.memory_space<vmem>> -> memref<1x2x8192xf32, #tpu.memory_space<vmem>>
        %dma_wait3A_323 = tpu.memref_squeeze %dma_wait3A_322 : memref<1x2x8192xf32, #tpu.memory_space<vmem>> -> memref<2x8192xf32, #tpu.memory_space<vmem>>
        %dma_wait3A_324 = arith.constant 0 : i32
        %dma_wait3A_325 = tpu.memref_slice %arg5[%sub3A_317, %dma_wait3A_324] : memref<64x2xi32, #tpu.memory_space<vmem>> -> memref<1x2xi32, #tpu.memory_space<vmem>>
        %dma_wait3A_326 = tpu.memref_squeeze %dma_wait3A_325 : memref<1x2xi32, #tpu.memory_space<vmem>> -> memref<2xi32, #tpu.memory_space<vmem>>
        %dma_wait3A_327 = arith.constant 0 : i32
        %dma_wait3A_328 = arith.constant 0 : i32
        %dma_wait3A_329 = tpu.memref_slice %arg2[%dma_wait3A_327, %dma_wait3A_328] : memref<4096x8192xf32, #tpu.memory_space<hbm>> -> memref<4096x8192xf32, #tpu.memory_space<hbm>>
        %dma_wait3A_330 = tpu.memref_slice %arg7[%dma_wait3A_319] : memref<4x!tpu.dma_semaphore, #tpu.memory_space<semaphore_mem>> -> memref<1x!tpu.dma_semaphore, #tpu.memory_space<semaphore_mem>>
        %dma_wait3A_331 = tpu.memref_squeeze %dma_wait3A_330 : memref<1x!tpu.dma_semaphore, #tpu.memory_space<semaphore_mem>> -> memref<!tpu.dma_semaphore, #tpu.memory_space<semaphore_mem>>
        tpu.wait_indirect_dma semaphore(%dma_wait3A_331 : memref<!tpu.dma_semaphore, #tpu.memory_space<semaphore_mem>>) src(%dma_wait3A_329 : memref<4096x8192xf32, #tpu.memory_space<hbm>>) dst(%dma_wait3A_323 : memref<2x8192xf32, #tpu.memory_space<vmem>>)
        %sub3A_332 = arith.constant 1 : i32
        %sub3A_333 = arith.subi %add3A_115, %sub3A_332 : i32
        %mul3A_334 = arith.constant 2 : i32
        %mul3A_335 = arith.muli %sub3A_333, %mul3A_334 : i32
        %add3A_336 = arith.addi %mul3A_2, %mul3A_335 : i32
        %dma_start3A_337 = arith.constant 3 : i32
        %dma_start3A_338 = arith.constant 3 : i32
        %dma_start3A_339 = arith.constant 0 : i32
        %dma_start3A_340 = arith.constant 0 : i32
        %dma_start3A_341 = tpu.memref_slice %arg6[%dma_start3A_337, %dma_start3A_339, %dma_start3A_340] : memref<4x2x8192xf32, #tpu.memory_space<vmem>> -> memref<1x2x8192xf32, #tpu.memory_space<vmem>>
        %dma_start3A_342 = tpu.memref_squeeze %dma_start3A_341 : memref<1x2x8192xf32, #tpu.memory_space<vmem>> -> memref<2x8192xf32, #tpu.memory_space<vmem>>
        %dma_start3A_343 = arith.constant 0 : i32
        %dma_start3A_344 = tpu.memref_slice %arg4[%add3A_336, %dma_start3A_343] : memref<4096x8192xf32, #tpu.memory_space<hbm>> -> memref<2x8192xf32, #tpu.memory_space<hbm>>
        %dma_start3A_345 = tpu.memref_slice %arg8[%dma_start3A_338] : memref<4x!tpu.dma_semaphore, #tpu.memory_space<semaphore_mem>> -> memref<1x!tpu.dma_semaphore, #tpu.memory_space<semaphore_mem>>
        %dma_start3A_346 = tpu.memref_squeeze %dma_start3A_345 : memref<1x!tpu.dma_semaphore, #tpu.memory_space<semaphore_mem>> -> memref<!tpu.dma_semaphore, #tpu.memory_space<semaphore_mem>>
        %dma_start3A_347 = arith.constant 0 : i32
        %dma_start3A_348 = tpu.memref_slice %arg4[%add3A_336, %dma_start3A_347] : memref<4096x8192xf32, #tpu.memory_space<hbm>> -> memref<2x8192xf32, #tpu.memory_space<hbm>>
        %dma_start3A_349 = arith.constant 0 : i32
        %dma_start3A_350 = arith.constant 0 : i32
        %dma_start3A_351 = tpu.memref_slice %arg6[%dma_start3A_337, %dma_start3A_349, %dma_start3A_350] : memref<4x2x8192xf32, #tpu.memory_space<vmem>> -> memref<1x2x8192xf32, #tpu.memory_space<vmem>>
        %dma_start3A_352 = tpu.memref_squeeze %dma_start3A_351 : memref<1x2x8192xf32, #tpu.memory_space<vmem>> -> memref<2x8192xf32, #tpu.memory_space<vmem>>
        tpu.enqueue_dma source(%dma_start3A_352 : memref<2x8192xf32, #tpu.memory_space<vmem>>) target(%dma_start3A_348 : memref<2x8192xf32, #tpu.memory_space<hbm>>) target_semaphore(%dma_start3A_346 : memref<!tpu.dma_semaphore, #tpu.memory_space<semaphore_mem>>)
      } else {
      }
      %mul3A_137 = arith.constant 4 : i32
      %mul3A_138 = arith.muli %scan3A_111, %mul3A_137 : i32
      %add3A_139 = arith.constant 1 : i32
      %add3A_140 = arith.addi %mul3A_138, %add3A_139 : i32
      %ge3A_141 = arith.constant 1 : i32
      %ge3A_142 = arith.cmpi sge, %scan3A_111, %ge3A_141 : i32
      %convert_element_type3A_143 = arith.extui %ge3A_142 : i1 to i32
      %cond3A_144 = arith.constant 0 : i32
      %cond3A_145 = arith.cmpi ne, %convert_element_type3A_143, %cond3A_144 : i32
      scf.if %cond3A_145 {
        %sub3A_316 = arith.constant 4 : i32
        %sub3A_317 = arith.subi %add3A_140, %sub3A_316 : i32
        %mul3A_318 = arith.constant 2 : i32
        %mul3A_319 = arith.muli %sub3A_317, %mul3A_318 : i32
        %add3A_320 = arith.addi %mul3A_2, %mul3A_319 : i32
        %dma_wait3A_321 = arith.constant 1 : i32
        %dma_wait3A_322 = arith.constant 1 : i32
        %dma_wait3A_323 = arith.constant 0 : i32
        %dma_wait3A_324 = arith.constant 0 : i32
        %dma_wait3A_325 = tpu.memref_slice %arg6[%dma_wait3A_321, %dma_wait3A_323, %dma_wait3A_324] : memref<4x2x8192xf32, #tpu.memory_space<vmem>> -> memref<1x2x8192xf32, #tpu.memory_space<vmem>>
        %dma_wait3A_326 = tpu.memref_squeeze %dma_wait3A_325 : memref<1x2x8192xf32, #tpu.memory_space<vmem>> -> memref<2x8192xf32, #tpu.memory_space<vmem>>
        %dma_wait3A_327 = arith.constant 0 : i32
        %dma_wait3A_328 = tpu.memref_slice %arg4[%add3A_320, %dma_wait3A_327] : memref<4096x8192xf32, #tpu.memory_space<hbm>> -> memref<2x8192xf32, #tpu.memory_space<hbm>>
        %dma_wait3A_329 = tpu.memref_slice %arg8[%dma_wait3A_322] : memref<4x!tpu.dma_semaphore, #tpu.memory_space<semaphore_mem>> -> memref<1x!tpu.dma_semaphore, #tpu.memory_space<semaphore_mem>>
        %dma_wait3A_330 = tpu.memref_squeeze %dma_wait3A_329 : memref<1x!tpu.dma_semaphore, #tpu.memory_space<semaphore_mem>> -> memref<!tpu.dma_semaphore, #tpu.memory_space<semaphore_mem>>
        %dma_wait3A_331 = arith.constant 0 : i32
        %dma_wait3A_332 = tpu.memref_slice %arg4[%add3A_320, %dma_wait3A_331] : memref<4096x8192xf32, #tpu.memory_space<hbm>> -> memref<2x8192xf32, #tpu.memory_space<hbm>>
        %dma_wait3A_333 = arith.constant 0 : i32
        %dma_wait3A_334 = arith.constant 0 : i32
        %dma_wait3A_335 = tpu.memref_slice %arg6[%dma_wait3A_321, %dma_wait3A_333, %dma_wait3A_334] : memref<4x2x8192xf32, #tpu.memory_space<vmem>> -> memref<1x2x8192xf32, #tpu.memory_space<vmem>>
        %dma_wait3A_336 = tpu.memref_squeeze %dma_wait3A_335 : memref<1x2x8192xf32, #tpu.memory_space<vmem>> -> memref<2x8192xf32, #tpu.memory_space<vmem>>
        tpu.wait_dma2 semaphore(%dma_wait3A_330 : memref<!tpu.dma_semaphore, #tpu.memory_space<semaphore_mem>>) src(%dma_wait3A_336 : memref<2x8192xf32, #tpu.memory_space<vmem>>) dst(%dma_wait3A_332 : memref<2x8192xf32, #tpu.memory_space<hbm>>)
      } else {
      }
      %dma_start3A_146 = arith.constant 1 : i32
      %dma_start3A_147 = arith.constant 1 : i32
      %dma_start3A_148 = arith.constant 0 : i32
      %dma_start3A_149 = arith.constant 0 : i32
      %dma_start3A_150 = tpu.memref_slice %arg6[%dma_start3A_146, %dma_start3A_148, %dma_start3A_149] : memref<4x2x8192xf32, #tpu.memory_space<vmem>> -> memref<1x2x8192xf32, #tpu.memory_space<vmem>>
      %dma_start3A_151 = tpu.memref_squeeze %dma_start3A_150 : memref<1x2x8192xf32, #tpu.memory_space<vmem>> -> memref<2x8192xf32, #tpu.memory_space<vmem>>
      %dma_start3A_152 = arith.constant 0 : i32
      %dma_start3A_153 = tpu.memref_slice %arg5[%add3A_140, %dma_start3A_152] : memref<64x2xi32, #tpu.memory_space<vmem>> -> memref<1x2xi32, #tpu.memory_space<vmem>>
      %dma_start3A_154 = tpu.memref_squeeze %dma_start3A_153 : memref<1x2xi32, #tpu.memory_space<vmem>> -> memref<2xi32, #tpu.memory_space<vmem>>
      %dma_start3A_155 = arith.constant 0 : i32
      %dma_start3A_156 = arith.constant 0 : i32
      %dma_start3A_157 = tpu.memref_slice %arg2[%dma_start3A_155, %dma_start3A_156] : memref<4096x8192xf32, #tpu.memory_space<hbm>> -> memref<4096x8192xf32, #tpu.memory_space<hbm>>
      %dma_start3A_158 = tpu.memref_slice %arg7[%dma_start3A_147] : memref<4x!tpu.dma_semaphore, #tpu.memory_space<semaphore_mem>> -> memref<1x!tpu.dma_semaphore, #tpu.memory_space<semaphore_mem>>
      %dma_start3A_159 = tpu.memref_squeeze %dma_start3A_158 : memref<1x!tpu.dma_semaphore, #tpu.memory_space<semaphore_mem>> -> memref<!tpu.dma_semaphore, #tpu.memory_space<semaphore_mem>>
      tpu.enqueue_indirect_dma source(%dma_start3A_157 : memref<4096x8192xf32, #tpu.memory_space<hbm>>) target(%dma_start3A_151 : memref<2x8192xf32, #tpu.memory_space<vmem>>) offsets(%dma_start3A_154 : memref<2xi32, #tpu.memory_space<vmem>>) semaphore(%dma_start3A_159 : memref<!tpu.dma_semaphore, #tpu.memory_space<semaphore_mem>>)
      %sub3A = arith.constant 1 : i32
      %sub3A_160 = arith.subi %add3A_140, %sub3A : i32
      %dma_wait3A_161 = arith.constant 0 : i32
      %dma_wait3A_162 = arith.constant 0 : i32
      %dma_wait3A_163 = arith.constant 0 : i32
      %dma_wait3A_164 = arith.constant 0 : i32
      %dma_wait3A_165 = tpu.memref_slice %arg6[%dma_wait3A_161, %dma_wait3A_163, %dma_wait3A_164] : memref<4x2x8192xf32, #tpu.memory_space<vmem>> -> memref<1x2x8192xf32, #tpu.memory_space<vmem>>
      %dma_wait3A_166 = tpu.memref_squeeze %dma_wait3A_165 : memref<1x2x8192xf32, #tpu.memory_space<vmem>> -> memref<2x8192xf32, #tpu.memory_space<vmem>>
      %dma_wait3A_167 = arith.constant 0 : i32
      %dma_wait3A_168 = tpu.memref_slice %arg5[%sub3A_160, %dma_wait3A_167] : memref<64x2xi32, #tpu.memory_space<vmem>> -> memref<1x2xi32, #tpu.memory_space<vmem>>
      %dma_wait3A_169 = tpu.memref_squeeze %dma_wait3A_168 : memref<1x2xi32, #tpu.memory_space<vmem>> -> memref<2xi32, #tpu.memory_space<vmem>>
      %dma_wait3A_170 = arith.constant 0 : i32
      %dma_wait3A_171 = arith.constant 0 : i32
      %dma_wait3A_172 = tpu.memref_slice %arg2[%dma_wait3A_170, %dma_wait3A_171] : memref<4096x8192xf32, #tpu.memory_space<hbm>> -> memref<4096x8192xf32, #tpu.memory_space<hbm>>
      %dma_wait3A_173 = tpu.memref_slice %arg7[%dma_wait3A_162] : memref<4x!tpu.dma_semaphore, #tpu.memory_space<semaphore_mem>> -> memref<1x!tpu.dma_semaphore, #tpu.memory_space<semaphore_mem>>
      %dma_wait3A_174 = tpu.memref_squeeze %dma_wait3A_173 : memref<1x!tpu.dma_semaphore, #tpu.memory_space<semaphore_mem>> -> memref<!tpu.dma_semaphore, #tpu.memory_space<semaphore_mem>>
      tpu.wait_indirect_dma semaphore(%dma_wait3A_174 : memref<!tpu.dma_semaphore, #tpu.memory_space<semaphore_mem>>) src(%dma_wait3A_172 : memref<4096x8192xf32, #tpu.memory_space<hbm>>) dst(%dma_wait3A_166 : memref<2x8192xf32, #tpu.memory_space<vmem>>)
      %sub3A_175 = arith.constant 1 : i32
      %sub3A_176 = arith.subi %add3A_140, %sub3A_175 : i32
      %mul3A_177 = arith.constant 2 : i32
      %mul3A_178 = arith.muli %sub3A_176, %mul3A_177 : i32
      %add3A_179 = arith.addi %mul3A_2, %mul3A_178 : i32
      %dma_start3A_180 = arith.constant 0 : i32
      %dma_start3A_181 = arith.constant 0 : i32
      %dma_start3A_182 = arith.constant 0 : i32
      %dma_start3A_183 = arith.constant 0 : i32
      %dma_start3A_184 = tpu.memref_slice %arg6[%dma_start3A_180, %dma_start3A_182, %dma_start3A_183] : memref<4x2x8192xf32, #tpu.memory_space<vmem>> -> memref<1x2x8192xf32, #tpu.memory_space<vmem>>
      %dma_start3A_185 = tpu.memref_squeeze %dma_start3A_184 : memref<1x2x8192xf32, #tpu.memory_space<vmem>> -> memref<2x8192xf32, #tpu.memory_space<vmem>>
      %dma_start3A_186 = arith.constant 0 : i32
      %dma_start3A_187 = tpu.memref_slice %arg4[%add3A_179, %dma_start3A_186] : memref<4096x8192xf32, #tpu.memory_space<hbm>> -> memref<2x8192xf32, #tpu.memory_space<hbm>>
      %dma_start3A_188 = tpu.memref_slice %arg8[%dma_start3A_181] : memref<4x!tpu.dma_semaphore, #tpu.memory_space<semaphore_mem>> -> memref<1x!tpu.dma_semaphore, #tpu.memory_space<semaphore_mem>>
      %dma_start3A_189 = tpu.memref_squeeze %dma_start3A_188 : memref<1x!tpu.dma_semaphore, #tpu.memory_space<semaphore_mem>> -> memref<!tpu.dma_semaphore, #tpu.memory_space<semaphore_mem>>
      %dma_start3A_190 = arith.constant 0 : i32
      %dma_start3A_191 = tpu.memref_slice %arg4[%add3A_179, %dma_start3A_190] : memref<4096x8192xf32, #tpu.memory_space<hbm>> -> memref<2x8192xf32, #tpu.memory_space<hbm>>
      %dma_start3A_192 = arith.constant 0 : i32
      %dma_start3A_193 = arith.constant 0 : i32
      %dma_start3A_194 = tpu.memref_slice %arg6[%dma_start3A_180, %dma_start3A_192, %dma_start3A_193] : memref<4x2x8192xf32, #tpu.memory_space<vmem>> -> memref<1x2x8192xf32, #tpu.memory_space<vmem>>
      %dma_start3A_195 = tpu.memref_squeeze %dma_start3A_194 : memref<1x2x8192xf32, #tpu.memory_space<vmem>> -> memref<2x8192xf32, #tpu.memory_space<vmem>>
      tpu.enqueue_dma source(%dma_start3A_195 : memref<2x8192xf32, #tpu.memory_space<vmem>>) target(%dma_start3A_191 : memref<2x8192xf32, #tpu.memory_space<hbm>>) target_semaphore(%dma_start3A_189 : memref<!tpu.dma_semaphore, #tpu.memory_space<semaphore_mem>>)
      %mul3A_196 = arith.constant 4 : i32
      %mul3A_197 = arith.muli %scan3A_111, %mul3A_196 : i32
      %add3A_198 = arith.constant 2 : i32
      %add3A_199 = arith.addi %mul3A_197, %add3A_198 : i32
      %ge3A_200 = arith.constant 1 : i32
      %ge3A_201 = arith.cmpi sge, %scan3A_111, %ge3A_200 : i32
      %convert_element_type3A_202 = arith.extui %ge3A_201 : i1 to i32
      %cond3A_203 = arith.constant 0 : i32
      %cond3A_204 = arith.cmpi ne, %convert_element_type3A_202, %cond3A_203 : i32
      scf.if %cond3A_204 {
        %sub3A_316 = arith.constant 4 : i32
        %sub3A_317 = arith.subi %add3A_199, %sub3A_316 : i32
        %mul3A_318 = arith.constant 2 : i32
        %mul3A_319 = arith.muli %sub3A_317, %mul3A_318 : i32
        %add3A_320 = arith.addi %mul3A_2, %mul3A_319 : i32
        %dma_wait3A_321 = arith.constant 2 : i32
        %dma_wait3A_322 = arith.constant 2 : i32
        %dma_wait3A_323 = arith.constant 0 : i32
        %dma_wait3A_324 = arith.constant 0 : i32
        %dma_wait3A_325 = tpu.memref_slice %arg6[%dma_wait3A_321, %dma_wait3A_323, %dma_wait3A_324] : memref<4x2x8192xf32, #tpu.memory_space<vmem>> -> memref<1x2x8192xf32, #tpu.memory_space<vmem>>
        %dma_wait3A_326 = tpu.memref_squeeze %dma_wait3A_325 : memref<1x2x8192xf32, #tpu.memory_space<vmem>> -> memref<2x8192xf32, #tpu.memory_space<vmem>>
        %dma_wait3A_327 = arith.constant 0 : i32
        %dma_wait3A_328 = tpu.memref_slice %arg4[%add3A_320, %dma_wait3A_327] : memref<4096x8192xf32, #tpu.memory_space<hbm>> -> memref<2x8192xf32, #tpu.memory_space<hbm>>
        %dma_wait3A_329 = tpu.memref_slice %arg8[%dma_wait3A_322] : memref<4x!tpu.dma_semaphore, #tpu.memory_space<semaphore_mem>> -> memref<1x!tpu.dma_semaphore, #tpu.memory_space<semaphore_mem>>
        %dma_wait3A_330 = tpu.memref_squeeze %dma_wait3A_329 : memref<1x!tpu.dma_semaphore, #tpu.memory_space<semaphore_mem>> -> memref<!tpu.dma_semaphore, #tpu.memory_space<semaphore_mem>>
        %dma_wait3A_331 = arith.constant 0 : i32
        %dma_wait3A_332 = tpu.memref_slice %arg4[%add3A_320, %dma_wait3A_331] : memref<4096x8192xf32, #tpu.memory_space<hbm>> -> memref<2x8192xf32, #tpu.memory_space<hbm>>
        %dma_wait3A_333 = arith.constant 0 : i32
        %dma_wait3A_334 = arith.constant 0 : i32
        %dma_wait3A_335 = tpu.memref_slice %arg6[%dma_wait3A_321, %dma_wait3A_333, %dma_wait3A_334] : memref<4x2x8192xf32, #tpu.memory_space<vmem>> -> memref<1x2x8192xf32, #tpu.memory_space<vmem>>
        %dma_wait3A_336 = tpu.memref_squeeze %dma_wait3A_335 : memref<1x2x8192xf32, #tpu.memory_space<vmem>> -> memref<2x8192xf32, #tpu.memory_space<vmem>>
        tpu.wait_dma2 semaphore(%dma_wait3A_330 : memref<!tpu.dma_semaphore, #tpu.memory_space<semaphore_mem>>) src(%dma_wait3A_336 : memref<2x8192xf32, #tpu.memory_space<vmem>>) dst(%dma_wait3A_332 : memref<2x8192xf32, #tpu.memory_space<hbm>>)
      } else {
      }
      %dma_start3A_205 = arith.constant 2 : i32
      %dma_start3A_206 = arith.constant 2 : i32
      %dma_start3A_207 = arith.constant 0 : i32
      %dma_start3A_208 = arith.constant 0 : i32
      %dma_start3A_209 = tpu.memref_slice %arg6[%dma_start3A_205, %dma_start3A_207, %dma_start3A_208] : memref<4x2x8192xf32, #tpu.memory_space<vmem>> -> memref<1x2x8192xf32, #tpu.memory_space<vmem>>
      %dma_start3A_210 = tpu.memref_squeeze %dma_start3A_209 : memref<1x2x8192xf32, #tpu.memory_space<vmem>> -> memref<2x8192xf32, #tpu.memory_space<vmem>>
      %dma_start3A_211 = arith.constant 0 : i32
      %dma_start3A_212 = tpu.memref_slice %arg5[%add3A_199, %dma_start3A_211] : memref<64x2xi32, #tpu.memory_space<vmem>> -> memref<1x2xi32, #tpu.memory_space<vmem>>
      %dma_start3A_213 = tpu.memref_squeeze %dma_start3A_212 : memref<1x2xi32, #tpu.memory_space<vmem>> -> memref<2xi32, #tpu.memory_space<vmem>>
      %dma_start3A_214 = arith.constant 0 : i32
      %dma_start3A_215 = arith.constant 0 : i32
      %dma_start3A_216 = tpu.memref_slice %arg2[%dma_start3A_214, %dma_start3A_215] : memref<4096x8192xf32, #tpu.memory_space<hbm>> -> memref<4096x8192xf32, #tpu.memory_space<hbm>>
      %dma_start3A_217 = tpu.memref_slice %arg7[%dma_start3A_206] : memref<4x!tpu.dma_semaphore, #tpu.memory_space<semaphore_mem>> -> memref<1x!tpu.dma_semaphore, #tpu.memory_space<semaphore_mem>>
      %dma_start3A_218 = tpu.memref_squeeze %dma_start3A_217 : memref<1x!tpu.dma_semaphore, #tpu.memory_space<semaphore_mem>> -> memref<!tpu.dma_semaphore, #tpu.memory_space<semaphore_mem>>
      tpu.enqueue_indirect_dma source(%dma_start3A_216 : memref<4096x8192xf32, #tpu.memory_space<hbm>>) target(%dma_start3A_210 : memref<2x8192xf32, #tpu.memory_space<vmem>>) offsets(%dma_start3A_213 : memref<2xi32, #tpu.memory_space<vmem>>) semaphore(%dma_start3A_218 : memref<!tpu.dma_semaphore, #tpu.memory_space<semaphore_mem>>)
      %sub3A_219 = arith.constant 1 : i32
      %sub3A_220 = arith.subi %add3A_199, %sub3A_219 : i32
      %dma_wait3A_221 = arith.constant 1 : i32
      %dma_wait3A_222 = arith.constant 1 : i32
      %dma_wait3A_223 = arith.constant 0 : i32
      %dma_wait3A_224 = arith.constant 0 : i32
      %dma_wait3A_225 = tpu.memref_slice %arg6[%dma_wait3A_221, %dma_wait3A_223, %dma_wait3A_224] : memref<4x2x8192xf32, #tpu.memory_space<vmem>> -> memref<1x2x8192xf32, #tpu.memory_space<vmem>>
      %dma_wait3A_226 = tpu.memref_squeeze %dma_wait3A_225 : memref<1x2x8192xf32, #tpu.memory_space<vmem>> -> memref<2x8192xf32, #tpu.memory_space<vmem>>
      %dma_wait3A_227 = arith.constant 0 : i32
      %dma_wait3A_228 = tpu.memref_slice %arg5[%sub3A_220, %dma_wait3A_227] : memref<64x2xi32, #tpu.memory_space<vmem>> -> memref<1x2xi32, #tpu.memory_space<vmem>>
      %dma_wait3A_229 = tpu.memref_squeeze %dma_wait3A_228 : memref<1x2xi32, #tpu.memory_space<vmem>> -> memref<2xi32, #tpu.memory_space<vmem>>
      %dma_wait3A_230 = arith.constant 0 : i32
      %dma_wait3A_231 = arith.constant 0 : i32
      %dma_wait3A_232 = tpu.memref_slice %arg2[%dma_wait3A_230, %dma_wait3A_231] : memref<4096x8192xf32, #tpu.memory_space<hbm>> -> memref<4096x8192xf32, #tpu.memory_space<hbm>>
      %dma_wait3A_233 = tpu.memref_slice %arg7[%dma_wait3A_222] : memref<4x!tpu.dma_semaphore, #tpu.memory_space<semaphore_mem>> -> memref<1x!tpu.dma_semaphore, #tpu.memory_space<semaphore_mem>>
      %dma_wait3A_234 = tpu.memref_squeeze %dma_wait3A_233 : memref<1x!tpu.dma_semaphore, #tpu.memory_space<semaphore_mem>> -> memref<!tpu.dma_semaphore, #tpu.memory_space<semaphore_mem>>
      tpu.wait_indirect_dma semaphore(%dma_wait3A_234 : memref<!tpu.dma_semaphore, #tpu.memory_space<semaphore_mem>>) src(%dma_wait3A_232 : memref<4096x8192xf32, #tpu.memory_space<hbm>>) dst(%dma_wait3A_226 : memref<2x8192xf32, #tpu.memory_space<vmem>>)
      %sub3A_235 = arith.constant 1 : i32
      %sub3A_236 = arith.subi %add3A_199, %sub3A_235 : i32
      %mul3A_237 = arith.constant 2 : i32
      %mul3A_238 = arith.muli %sub3A_236, %mul3A_237 : i32
      %add3A_239 = arith.addi %mul3A_2, %mul3A_238 : i32
      %dma_start3A_240 = arith.constant 1 : i32
      %dma_start3A_241 = arith.constant 1 : i32
      %dma_start3A_242 = arith.constant 0 : i32
      %dma_start3A_243 = arith.constant 0 : i32
      %dma_start3A_244 = tpu.memref_slice %arg6[%dma_start3A_240, %dma_start3A_242, %dma_start3A_243] : memref<4x2x8192xf32, #tpu.memory_space<vmem>> -> memref<1x2x8192xf32, #tpu.memory_space<vmem>>
      %dma_start3A_245 = tpu.memref_squeeze %dma_start3A_244 : memref<1x2x8192xf32, #tpu.memory_space<vmem>> -> memref<2x8192xf32, #tpu.memory_space<vmem>>
      %dma_start3A_246 = arith.constant 0 : i32
      %dma_start3A_247 = tpu.memref_slice %arg4[%add3A_239, %dma_start3A_246] : memref<4096x8192xf32, #tpu.memory_space<hbm>> -> memref<2x8192xf32, #tpu.memory_space<hbm>>
      %dma_start3A_248 = tpu.memref_slice %arg8[%dma_start3A_241] : memref<4x!tpu.dma_semaphore, #tpu.memory_space<semaphore_mem>> -> memref<1x!tpu.dma_semaphore, #tpu.memory_space<semaphore_mem>>
      %dma_start3A_249 = tpu.memref_squeeze %dma_start3A_248 : memref<1x!tpu.dma_semaphore, #tpu.memory_space<semaphore_mem>> -> memref<!tpu.dma_semaphore, #tpu.memory_space<semaphore_mem>>
      %dma_start3A_250 = arith.constant 0 : i32
      %dma_start3A_251 = tpu.memref_slice %arg4[%add3A_239, %dma_start3A_250] : memref<4096x8192xf32, #tpu.memory_space<hbm>> -> memref<2x8192xf32, #tpu.memory_space<hbm>>
      %dma_start3A_252 = arith.constant 0 : i32
      %dma_start3A_253 = arith.constant 0 : i32
      %dma_start3A_254 = tpu.memref_slice %arg6[%dma_start3A_240, %dma_start3A_252, %dma_start3A_253] : memref<4x2x8192xf32, #tpu.memory_space<vmem>> -> memref<1x2x8192xf32, #tpu.memory_space<vmem>>
      %dma_start3A_255 = tpu.memref_squeeze %dma_start3A_254 : memref<1x2x8192xf32, #tpu.memory_space<vmem>> -> memref<2x8192xf32, #tpu.memory_space<vmem>>
      tpu.enqueue_dma source(%dma_start3A_255 : memref<2x8192xf32, #tpu.memory_space<vmem>>) target(%dma_start3A_251 : memref<2x8192xf32, #tpu.memory_space<hbm>>) target_semaphore(%dma_start3A_249 : memref<!tpu.dma_semaphore, #tpu.memory_space<semaphore_mem>>)
      %mul3A_256 = arith.constant 4 : i32
      %mul3A_257 = arith.muli %scan3A_111, %mul3A_256 : i32
      %add3A_258 = arith.constant 3 : i32
      %add3A_259 = arith.addi %mul3A_257, %add3A_258 : i32
      %ge3A_260 = arith.constant 1 : i32
      %ge3A_261 = arith.cmpi sge, %scan3A_111, %ge3A_260 : i32
      %convert_element_type3A_262 = arith.extui %ge3A_261 : i1 to i32
      %cond3A_263 = arith.constant 0 : i32
      %cond3A_264 = arith.cmpi ne, %convert_element_type3A_262, %cond3A_263 : i32
      scf.if %cond3A_264 {
        %sub3A_316 = arith.constant 4 : i32
        %sub3A_317 = arith.subi %add3A_259, %sub3A_316 : i32
        %mul3A_318 = arith.constant 2 : i32
        %mul3A_319 = arith.muli %sub3A_317, %mul3A_318 : i32
        %add3A_320 = arith.addi %mul3A_2, %mul3A_319 : i32
        %dma_wait3A_321 = arith.constant 3 : i32
        %dma_wait3A_322 = arith.constant 3 : i32
        %dma_wait3A_323 = arith.constant 0 : i32
        %dma_wait3A_324 = arith.constant 0 : i32
        %dma_wait3A_325 = tpu.memref_slice %arg6[%dma_wait3A_321, %dma_wait3A_323, %dma_wait3A_324] : memref<4x2x8192xf32, #tpu.memory_space<vmem>> -> memref<1x2x8192xf32, #tpu.memory_space<vmem>>
        %dma_wait3A_326 = tpu.memref_squeeze %dma_wait3A_325 : memref<1x2x8192xf32, #tpu.memory_space<vmem>> -> memref<2x8192xf32, #tpu.memory_space<vmem>>
        %dma_wait3A_327 = arith.constant 0 : i32
        %dma_wait3A_328 = tpu.memref_slice %arg4[%add3A_320, %dma_wait3A_327] : memref<4096x8192xf32, #tpu.memory_space<hbm>> -> memref<2x8192xf32, #tpu.memory_space<hbm>>
        %dma_wait3A_329 = tpu.memref_slice %arg8[%dma_wait3A_322] : memref<4x!tpu.dma_semaphore, #tpu.memory_space<semaphore_mem>> -> memref<1x!tpu.dma_semaphore, #tpu.memory_space<semaphore_mem>>
        %dma_wait3A_330 = tpu.memref_squeeze %dma_wait3A_329 : memref<1x!tpu.dma_semaphore, #tpu.memory_space<semaphore_mem>> -> memref<!tpu.dma_semaphore, #tpu.memory_space<semaphore_mem>>
        %dma_wait3A_331 = arith.constant 0 : i32
        %dma_wait3A_332 = tpu.memref_slice %arg4[%add3A_320, %dma_wait3A_331] : memref<4096x8192xf32, #tpu.memory_space<hbm>> -> memref<2x8192xf32, #tpu.memory_space<hbm>>
        %dma_wait3A_333 = arith.constant 0 : i32
        %dma_wait3A_334 = arith.constant 0 : i32
        %dma_wait3A_335 = tpu.memref_slice %arg6[%dma_wait3A_321, %dma_wait3A_333, %dma_wait3A_334] : memref<4x2x8192xf32, #tpu.memory_space<vmem>> -> memref<1x2x8192xf32, #tpu.memory_space<vmem>>
        %dma_wait3A_336 = tpu.memref_squeeze %dma_wait3A_335 : memref<1x2x8192xf32, #tpu.memory_space<vmem>> -> memref<2x8192xf32, #tpu.memory_space<vmem>>
        tpu.wait_dma2 semaphore(%dma_wait3A_330 : memref<!tpu.dma_semaphore, #tpu.memory_space<semaphore_mem>>) src(%dma_wait3A_336 : memref<2x8192xf32, #tpu.memory_space<vmem>>) dst(%dma_wait3A_332 : memref<2x8192xf32, #tpu.memory_space<hbm>>)
      } else {
      }
      %dma_start3A_265 = arith.constant 3 : i32
      %dma_start3A_266 = arith.constant 3 : i32
      %dma_start3A_267 = arith.constant 0 : i32
      %dma_start3A_268 = arith.constant 0 : i32
      %dma_start3A_269 = tpu.memref_slice %arg6[%dma_start3A_265, %dma_start3A_267, %dma_start3A_268] : memref<4x2x8192xf32, #tpu.memory_space<vmem>> -> memref<1x2x8192xf32, #tpu.memory_space<vmem>>
      %dma_start3A_270 = tpu.memref_squeeze %dma_start3A_269 : memref<1x2x8192xf32, #tpu.memory_space<vmem>> -> memref<2x8192xf32, #tpu.memory_space<vmem>>
      %dma_start3A_271 = arith.constant 0 : i32
      %dma_start3A_272 = tpu.memref_slice %arg5[%add3A_259, %dma_start3A_271] : memref<64x2xi32, #tpu.memory_space<vmem>> -> memref<1x2xi32, #tpu.memory_space<vmem>>
      %dma_start3A_273 = tpu.memref_squeeze %dma_start3A_272 : memref<1x2xi32, #tpu.memory_space<vmem>> -> memref<2xi32, #tpu.memory_space<vmem>>
      %dma_start3A_274 = arith.constant 0 : i32
      %dma_start3A_275 = arith.constant 0 : i32
      %dma_start3A_276 = tpu.memref_slice %arg2[%dma_start3A_274, %dma_start3A_275] : memref<4096x8192xf32, #tpu.memory_space<hbm>> -> memref<4096x8192xf32, #tpu.memory_space<hbm>>
      %dma_start3A_277 = tpu.memref_slice %arg7[%dma_start3A_266] : memref<4x!tpu.dma_semaphore, #tpu.memory_space<semaphore_mem>> -> memref<1x!tpu.dma_semaphore, #tpu.memory_space<semaphore_mem>>
      %dma_start3A_278 = tpu.memref_squeeze %dma_start3A_277 : memref<1x!tpu.dma_semaphore, #tpu.memory_space<semaphore_mem>> -> memref<!tpu.dma_semaphore, #tpu.memory_space<semaphore_mem>>
      tpu.enqueue_indirect_dma source(%dma_start3A_276 : memref<4096x8192xf32, #tpu.memory_space<hbm>>) target(%dma_start3A_270 : memref<2x8192xf32, #tpu.memory_space<vmem>>) offsets(%dma_start3A_273 : memref<2xi32, #tpu.memory_space<vmem>>) semaphore(%dma_start3A_278 : memref<!tpu.dma_semaphore, #tpu.memory_space<semaphore_mem>>)
      %sub3A_279 = arith.constant 1 : i32
      %sub3A_280 = arith.subi %add3A_259, %sub3A_279 : i32
      %dma_wait3A_281 = arith.constant 2 : i32
      %dma_wait3A_282 = arith.constant 2 : i32
      %dma_wait3A_283 = arith.constant 0 : i32
      %dma_wait3A_284 = arith.constant 0 : i32
      %dma_wait3A_285 = tpu.memref_slice %arg6[%dma_wait3A_281, %dma_wait3A_283, %dma_wait3A_284] : memref<4x2x8192xf32, #tpu.memory_space<vmem>> -> memref<1x2x8192xf32, #tpu.memory_space<vmem>>
      %dma_wait3A_286 = tpu.memref_squeeze %dma_wait3A_285 : memref<1x2x8192xf32, #tpu.memory_space<vmem>> -> memref<2x8192xf32, #tpu.memory_space<vmem>>
      %dma_wait3A_287 = arith.constant 0 : i32
      %dma_wait3A_288 = tpu.memref_slice %arg5[%sub3A_280, %dma_wait3A_287] : memref<64x2xi32, #tpu.memory_space<vmem>> -> memref<1x2xi32, #tpu.memory_space<vmem>>
      %dma_wait3A_289 = tpu.memref_squeeze %dma_wait3A_288 : memref<1x2xi32, #tpu.memory_space<vmem>> -> memref<2xi32, #tpu.memory_space<vmem>>
      %dma_wait3A_290 = arith.constant 0 : i32
      %dma_wait3A_291 = arith.constant 0 : i32
      %dma_wait3A_292 = tpu.memref_slice %arg2[%dma_wait3A_290, %dma_wait3A_291] : memref<4096x8192xf32, #tpu.memory_space<hbm>> -> memref<4096x8192xf32, #tpu.memory_space<hbm>>
      %dma_wait3A_293 = tpu.memref_slice %arg7[%dma_wait3A_282] : memref<4x!tpu.dma_semaphore, #tpu.memory_space<semaphore_mem>> -> memref<1x!tpu.dma_semaphore, #tpu.memory_space<semaphore_mem>>
      %dma_wait3A_294 = tpu.memref_squeeze %dma_wait3A_293 : memref<1x!tpu.dma_semaphore, #tpu.memory_space<semaphore_mem>> -> memref<!tpu.dma_semaphore, #tpu.memory_space<semaphore_mem>>
      tpu.wait_indirect_dma semaphore(%dma_wait3A_294 : memref<!tpu.dma_semaphore, #tpu.memory_space<semaphore_mem>>) src(%dma_wait3A_292 : memref<4096x8192xf32, #tpu.memory_space<hbm>>) dst(%dma_wait3A_286 : memref<2x8192xf32, #tpu.memory_space<vmem>>)
      %sub3A_295 = arith.constant 1 : i32
      %sub3A_296 = arith.subi %add3A_259, %sub3A_295 : i32
      %mul3A_297 = arith.constant 2 : i32
      %mul3A_298 = arith.muli %sub3A_296, %mul3A_297 : i32
      %add3A_299 = arith.addi %mul3A_2, %mul3A_298 : i32
      %dma_start3A_300 = arith.constant 2 : i32
      %dma_start3A_301 = arith.constant 2 : i32
      %dma_start3A_302 = arith.constant 0 : i32
      %dma_start3A_303 = arith.constant 0 : i32
      %dma_start3A_304 = tpu.memref_slice %arg6[%dma_start3A_300, %dma_start3A_302, %dma_start3A_303] : memref<4x2x8192xf32, #tpu.memory_space<vmem>> -> memref<1x2x8192xf32, #tpu.memory_space<vmem>>
      %dma_start3A_305 = tpu.memref_squeeze %dma_start3A_304 : memref<1x2x8192xf32, #tpu.memory_space<vmem>> -> memref<2x8192xf32, #tpu.memory_space<vmem>>
      %dma_start3A_306 = arith.constant 0 : i32
      %dma_start3A_307 = tpu.memref_slice %arg4[%add3A_299, %dma_start3A_306] : memref<4096x8192xf32, #tpu.memory_space<hbm>> -> memref<2x8192xf32, #tpu.memory_space<hbm>>
      %dma_start3A_308 = tpu.memref_slice %arg8[%dma_start3A_301] : memref<4x!tpu.dma_semaphore, #tpu.memory_space<semaphore_mem>> -> memref<1x!tpu.dma_semaphore, #tpu.memory_space<semaphore_mem>>
      %dma_start3A_309 = tpu.memref_squeeze %dma_start3A_308 : memref<1x!tpu.dma_semaphore, #tpu.memory_space<semaphore_mem>> -> memref<!tpu.dma_semaphore, #tpu.memory_space<semaphore_mem>>
      %dma_start3A_310 = arith.constant 0 : i32
      %dma_start3A_311 = tpu.memref_slice %arg4[%add3A_299, %dma_start3A_310] : memref<4096x8192xf32, #tpu.memory_space<hbm>> -> memref<2x8192xf32, #tpu.memory_space<hbm>>
      %dma_start3A_312 = arith.constant 0 : i32
      %dma_start3A_313 = arith.constant 0 : i32
      %dma_start3A_314 = tpu.memref_slice %arg6[%dma_start3A_300, %dma_start3A_312, %dma_start3A_313] : memref<4x2x8192xf32, #tpu.memory_space<vmem>> -> memref<1x2x8192xf32, #tpu.memory_space<vmem>>
      %dma_start3A_315 = tpu.memref_squeeze %dma_start3A_314 : memref<1x2x8192xf32, #tpu.memory_space<vmem>> -> memref<2x8192xf32, #tpu.memory_space<vmem>>
      tpu.enqueue_dma source(%dma_start3A_315 : memref<2x8192xf32, #tpu.memory_space<vmem>>) target(%dma_start3A_311 : memref<2x8192xf32, #tpu.memory_space<hbm>>) target_semaphore(%dma_start3A_309 : memref<!tpu.dma_semaphore, #tpu.memory_space<semaphore_mem>>)
    }
    %scan3A_7 = arith.constant 16 : i32
    %dma_wait3A = arith.constant 63 : i32
    %dma_wait3A_8 = arith.constant 3 : i32
    %dma_wait3A_9 = arith.constant 3 : i32
    %dma_wait3A_10 = arith.constant 0 : i32
    %dma_wait3A_11 = arith.constant 0 : i32
    %dma_wait3A_12 = tpu.memref_slice %arg6[%dma_wait3A_8, %dma_wait3A_10, %dma_wait3A_11] : memref<4x2x8192xf32, #tpu.memory_space<vmem>> -> memref<1x2x8192xf32, #tpu.memory_space<vmem>>
    %dma_wait3A_13 = tpu.memref_squeeze %dma_wait3A_12 : memref<1x2x8192xf32, #tpu.memory_space<vmem>> -> memref<2x8192xf32, #tpu.memory_space<vmem>>
    %dma_wait3A_14 = arith.constant 0 : i32
    %dma_wait3A_15 = tpu.memref_slice %arg5[%dma_wait3A, %dma_wait3A_14] : memref<64x2xi32, #tpu.memory_space<vmem>> -> memref<1x2xi32, #tpu.memory_space<vmem>>
    %dma_wait3A_16 = tpu.memref_squeeze %dma_wait3A_15 : memref<1x2xi32, #tpu.memory_space<vmem>> -> memref<2xi32, #tpu.memory_space<vmem>>
    %dma_wait3A_17 = arith.constant 0 : i32
    %dma_wait3A_18 = arith.constant 0 : i32
    %dma_wait3A_19 = tpu.memref_slice %arg2[%dma_wait3A_17, %dma_wait3A_18] : memref<4096x8192xf32, #tpu.memory_space<hbm>> -> memref<4096x8192xf32, #tpu.memory_space<hbm>>
    %dma_wait3A_20 = tpu.memref_slice %arg7[%dma_wait3A_9] : memref<4x!tpu.dma_semaphore, #tpu.memory_space<semaphore_mem>> -> memref<1x!tpu.dma_semaphore, #tpu.memory_space<semaphore_mem>>
    %dma_wait3A_21 = tpu.memref_squeeze %dma_wait3A_20 : memref<1x!tpu.dma_semaphore, #tpu.memory_space<semaphore_mem>> -> memref<!tpu.dma_semaphore, #tpu.memory_space<semaphore_mem>>
    tpu.wait_indirect_dma semaphore(%dma_wait3A_21 : memref<!tpu.dma_semaphore, #tpu.memory_space<semaphore_mem>>) src(%dma_wait3A_19 : memref<4096x8192xf32, #tpu.memory_space<hbm>>) dst(%dma_wait3A_13 : memref<2x8192xf32, #tpu.memory_space<vmem>>)
    %add3A_22 = arith.constant 126 : i32
    %add3A_23 = arith.addi %mul3A_2, %add3A_22 : i32
    %dma_start3A = arith.constant 3 : i32
    %dma_start3A_24 = arith.constant 3 : i32
    %dma_start3A_25 = arith.constant 0 : i32
    %dma_start3A_26 = arith.constant 0 : i32
    %dma_start3A_27 = tpu.memref_slice %arg6[%dma_start3A, %dma_start3A_25, %dma_start3A_26] : memref<4x2x8192xf32, #tpu.memory_space<vmem>> -> memref<1x2x8192xf32, #tpu.memory_space<vmem>>
    %dma_start3A_28 = tpu.memref_squeeze %dma_start3A_27 : memref<1x2x8192xf32, #tpu.memory_space<vmem>> -> memref<2x8192xf32, #tpu.memory_space<vmem>>
    %dma_start3A_29 = arith.constant 0 : i32
    %dma_start3A_30 = tpu.memref_slice %arg4[%add3A_23, %dma_start3A_29] : memref<4096x8192xf32, #tpu.memory_space<hbm>> -> memref<2x8192xf32, #tpu.memory_space<hbm>>
    %dma_start3A_31 = tpu.memref_slice %arg8[%dma_start3A_24] : memref<4x!tpu.dma_semaphore, #tpu.memory_space<semaphore_mem>> -> memref<1x!tpu.dma_semaphore, #tpu.memory_space<semaphore_mem>>
    %dma_start3A_32 = tpu.memref_squeeze %dma_start3A_31 : memref<1x!tpu.dma_semaphore, #tpu.memory_space<semaphore_mem>> -> memref<!tpu.dma_semaphore, #tpu.memory_space<semaphore_mem>>
    %dma_start3A_33 = arith.constant 0 : i32
    %dma_start3A_34 = tpu.memref_slice %arg4[%add3A_23, %dma_start3A_33] : memref<4096x8192xf32, #tpu.memory_space<hbm>> -> memref<2x8192xf32, #tpu.memory_space<hbm>>
    %dma_start3A_35 = arith.constant 0 : i32
    %dma_start3A_36 = arith.constant 0 : i32
    %dma_start3A_37 = tpu.memref_slice %arg6[%dma_start3A, %dma_start3A_35, %dma_start3A_36] : memref<4x2x8192xf32, #tpu.memory_space<vmem>> -> memref<1x2x8192xf32, #tpu.memory_space<vmem>>
    %dma_start3A_38 = tpu.memref_squeeze %dma_start3A_37 : memref<1x2x8192xf32, #tpu.memory_space<vmem>> -> memref<2x8192xf32, #tpu.memory_space<vmem>>
    tpu.enqueue_dma source(%dma_start3A_38 : memref<2x8192xf32, #tpu.memory_space<vmem>>) target(%dma_start3A_34 : memref<2x8192xf32, #tpu.memory_space<hbm>>) target_semaphore(%dma_start3A_32 : memref<!tpu.dma_semaphore, #tpu.memory_space<semaphore_mem>>)
    %add3A_39 = arith.constant 120 : i32
    %add3A_40 = arith.addi %mul3A_2, %add3A_39 : i32
    %dma_wait3A_41 = arith.constant 0 : i32
    %dma_wait3A_42 = arith.constant 0 : i32
    %dma_wait3A_43 = arith.constant 0 : i32
    %dma_wait3A_44 = arith.constant 0 : i32
    %dma_wait3A_45 = tpu.memref_slice %arg6[%dma_wait3A_41, %dma_wait3A_43, %dma_wait3A_44] : memref<4x2x8192xf32, #tpu.memory_space<vmem>> -> memref<1x2x8192xf32, #tpu.memory_space<vmem>>
    %dma_wait3A_46 = tpu.memref_squeeze %dma_wait3A_45 : memref<1x2x8192xf32, #tpu.memory_space<vmem>> -> memref<2x8192xf32, #tpu.memory_space<vmem>>
    %dma_wait3A_47 = arith.constant 0 : i32
    %dma_wait3A_48 = tpu.memref_slice %arg4[%add3A_40, %dma_wait3A_47] : memref<4096x8192xf32, #tpu.memory_space<hbm>> -> memref<2x8192xf32, #tpu.memory_space<hbm>>
    %dma_wait3A_49 = tpu.memref_slice %arg8[%dma_wait3A_42] : memref<4x!tpu.dma_semaphore, #tpu.memory_space<semaphore_mem>> -> memref<1x!tpu.dma_semaphore, #tpu.memory_space<semaphore_mem>>
    %dma_wait3A_50 = tpu.memref_squeeze %dma_wait3A_49 : memref<1x!tpu.dma_semaphore, #tpu.memory_space<semaphore_mem>> -> memref<!tpu.dma_semaphore, #tpu.memory_space<semaphore_mem>>
    %dma_wait3A_51 = arith.constant 0 : i32
    %dma_wait3A_52 = tpu.memref_slice %arg4[%add3A_40, %dma_wait3A_51] : memref<4096x8192xf32, #tpu.memory_space<hbm>> -> memref<2x8192xf32, #tpu.memory_space<hbm>>
    %dma_wait3A_53 = arith.constant 0 : i32
    %dma_wait3A_54 = arith.constant 0 : i32
    %dma_wait3A_55 = tpu.memref_slice %arg6[%dma_wait3A_41, %dma_wait3A_53, %dma_wait3A_54] : memref<4x2x8192xf32, #tpu.memory_space<vmem>> -> memref<1x2x8192xf32, #tpu.memory_space<vmem>>
    %dma_wait3A_56 = tpu.memref_squeeze %dma_wait3A_55 : memref<1x2x8192xf32, #tpu.memory_space<vmem>> -> memref<2x8192xf32, #tpu.memory_space<vmem>>
    tpu.wait_dma2 semaphore(%dma_wait3A_50 : memref<!tpu.dma_semaphore, #tpu.memory_space<semaphore_mem>>) src(%dma_wait3A_56 : memref<2x8192xf32, #tpu.memory_space<vmem>>) dst(%dma_wait3A_52 : memref<2x8192xf32, #tpu.memory_space<hbm>>)
    %add3A_57 = arith.constant 122 : i32
    %add3A_58 = arith.addi %mul3A_2, %add3A_57 : i32
    %dma_wait3A_59 = arith.constant 1 : i32
    %dma_wait3A_60 = arith.constant 1 : i32
    %dma_wait3A_61 = arith.constant 0 : i32
    %dma_wait3A_62 = arith.constant 0 : i32
    %dma_wait3A_63 = tpu.memref_slice %arg6[%dma_wait3A_59, %dma_wait3A_61, %dma_wait3A_62] : memref<4x2x8192xf32, #tpu.memory_space<vmem>> -> memref<1x2x8192xf32, #tpu.memory_space<vmem>>
    %dma_wait3A_64 = tpu.memref_squeeze %dma_wait3A_63 : memref<1x2x8192xf32, #tpu.memory_space<vmem>> -> memref<2x8192xf32, #tpu.memory_space<vmem>>
    %dma_wait3A_65 = arith.constant 0 : i32
    %dma_wait3A_66 = tpu.memref_slice %arg4[%add3A_58, %dma_wait3A_65] : memref<4096x8192xf32, #tpu.memory_space<hbm>> -> memref<2x8192xf32, #tpu.memory_space<hbm>>
    %dma_wait3A_67 = tpu.memref_slice %arg8[%dma_wait3A_60] : memref<4x!tpu.dma_semaphore, #tpu.memory_space<semaphore_mem>> -> memref<1x!tpu.dma_semaphore, #tpu.memory_space<semaphore_mem>>
    %dma_wait3A_68 = tpu.memref_squeeze %dma_wait3A_67 : memref<1x!tpu.dma_semaphore, #tpu.memory_space<semaphore_mem>> -> memref<!tpu.dma_semaphore, #tpu.memory_space<semaphore_mem>>
    %dma_wait3A_69 = arith.constant 0 : i32
    %dma_wait3A_70 = tpu.memref_slice %arg4[%add3A_58, %dma_wait3A_69] : memref<4096x8192xf32, #tpu.memory_space<hbm>> -> memref<2x8192xf32, #tpu.memory_space<hbm>>
    %dma_wait3A_71 = arith.constant 0 : i32
    %dma_wait3A_72 = arith.constant 0 : i32
    %dma_wait3A_73 = tpu.memref_slice %arg6[%dma_wait3A_59, %dma_wait3A_71, %dma_wait3A_72] : memref<4x2x8192xf32, #tpu.memory_space<vmem>> -> memref<1x2x8192xf32, #tpu.memory_space<vmem>>
    %dma_wait3A_74 = tpu.memref_squeeze %dma_wait3A_73 : memref<1x2x8192xf32, #tpu.memory_space<vmem>> -> memref<2x8192xf32, #tpu.memory_space<vmem>>
    tpu.wait_dma2 semaphore(%dma_wait3A_68 : memref<!tpu.dma_semaphore, #tpu.memory_space<semaphore_mem>>) src(%dma_wait3A_74 : memref<2x8192xf32, #tpu.memory_space<vmem>>) dst(%dma_wait3A_70 : memref<2x8192xf32, #tpu.memory_space<hbm>>)
    %add3A_75 = arith.constant 124 : i32
    %add3A_76 = arith.addi %mul3A_2, %add3A_75 : i32
    %dma_wait3A_77 = arith.constant 2 : i32
    %dma_wait3A_78 = arith.constant 2 : i32
    %dma_wait3A_79 = arith.constant 0 : i32
    %dma_wait3A_80 = arith.constant 0 : i32
    %dma_wait3A_81 = tpu.memref_slice %arg6[%dma_wait3A_77, %dma_wait3A_79, %dma_wait3A_80] : memref<4x2x8192xf32, #tpu.memory_space<vmem>> -> memref<1x2x8192xf32, #tpu.memory_space<vmem>>
    %dma_wait3A_82 = tpu.memref_squeeze %dma_wait3A_81 : memref<1x2x8192xf32, #tpu.memory_space<vmem>> -> memref<2x8192xf32, #tpu.memory_space<vmem>>
    %dma_wait3A_83 = arith.constant 0 : i32
    %dma_wait3A_84 = tpu.memref_slice %arg4[%add3A_76, %dma_wait3A_83] : memref<4096x8192xf32, #tpu.memory_space<hbm>> -> memref<2x8192xf32, #tpu.memory_space<hbm>>
    %dma_wait3A_85 = tpu.memref_slice %arg8[%dma_wait3A_78] : memref<4x!tpu.dma_semaphore, #tpu.memory_space<semaphore_mem>> -> memref<1x!tpu.dma_semaphore, #tpu.memory_space<semaphore_mem>>
    %dma_wait3A_86 = tpu.memref_squeeze %dma_wait3A_85 : memref<1x!tpu.dma_semaphore, #tpu.memory_space<semaphore_mem>> -> memref<!tpu.dma_semaphore, #tpu.memory_space<semaphore_mem>>
    %dma_wait3A_87 = arith.constant 0 : i32
    %dma_wait3A_88 = tpu.memref_slice %arg4[%add3A_76, %dma_wait3A_87] : memref<4096x8192xf32, #tpu.memory_space<hbm>> -> memref<2x8192xf32, #tpu.memory_space<hbm>>
    %dma_wait3A_89 = arith.constant 0 : i32
    %dma_wait3A_90 = arith.constant 0 : i32
    %dma_wait3A_91 = tpu.memref_slice %arg6[%dma_wait3A_77, %dma_wait3A_89, %dma_wait3A_90] : memref<4x2x8192xf32, #tpu.memory_space<vmem>> -> memref<1x2x8192xf32, #tpu.memory_space<vmem>>
    %dma_wait3A_92 = tpu.memref_squeeze %dma_wait3A_91 : memref<1x2x8192xf32, #tpu.memory_space<vmem>> -> memref<2x8192xf32, #tpu.memory_space<vmem>>
    tpu.wait_dma2 semaphore(%dma_wait3A_86 : memref<!tpu.dma_semaphore, #tpu.memory_space<semaphore_mem>>) src(%dma_wait3A_92 : memref<2x8192xf32, #tpu.memory_space<vmem>>) dst(%dma_wait3A_88 : memref<2x8192xf32, #tpu.memory_space<hbm>>)
    %add3A_93 = arith.constant 126 : i32
    %add3A_94 = arith.addi %mul3A_2, %add3A_93 : i32
    %dma_wait3A_95 = arith.constant 3 : i32
    %dma_wait3A_96 = arith.constant 3 : i32
    %dma_wait3A_97 = arith.constant 0 : i32
    %dma_wait3A_98 = arith.constant 0 : i32
    %dma_wait3A_99 = tpu.memref_slice %arg6[%dma_wait3A_95, %dma_wait3A_97, %dma_wait3A_98] : memref<4x2x8192xf32, #tpu.memory_space<vmem>> -> memref<1x2x8192xf32, #tpu.memory_space<vmem>>
    %dma_wait3A_100 = tpu.memref_squeeze %dma_wait3A_99 : memref<1x2x8192xf32, #tpu.memory_space<vmem>> -> memref<2x8192xf32, #tpu.memory_space<vmem>>
    %dma_wait3A_101 = arith.constant 0 : i32
    %dma_wait3A_102 = tpu.memref_slice %arg4[%add3A_94, %dma_wait3A_101] : memref<4096x8192xf32, #tpu.memory_space<hbm>> -> memref<2x8192xf32, #tpu.memory_space<hbm>>
    %dma_wait3A_103 = tpu.memref_slice %arg8[%dma_wait3A_96] : memref<4x!tpu.dma_semaphore, #tpu.memory_space<semaphore_mem>> -> memref<1x!tpu.dma_semaphore, #tpu.memory_space<semaphore_mem>>
    %dma_wait3A_104 = tpu.memref_squeeze %dma_wait3A_103 : memref<1x!tpu.dma_semaphore, #tpu.memory_space<semaphore_mem>> -> memref<!tpu.dma_semaphore, #tpu.memory_space<semaphore_mem>>
    %dma_wait3A_105 = arith.constant 0 : i32
    %dma_wait3A_106 = tpu.memref_slice %arg4[%add3A_94, %dma_wait3A_105] : memref<4096x8192xf32, #tpu.memory_space<hbm>> -> memref<2x8192xf32, #tpu.memory_space<hbm>>
    %dma_wait3A_107 = arith.constant 0 : i32
    %dma_wait3A_108 = arith.constant 0 : i32
    %dma_wait3A_109 = tpu.memref_slice %arg6[%dma_wait3A_95, %dma_wait3A_107, %dma_wait3A_108] : memref<4x2x8192xf32, #tpu.memory_space<vmem>> -> memref<1x2x8192xf32, #tpu.memory_space<vmem>>
    %dma_wait3A_110 = tpu.memref_squeeze %dma_wait3A_109 : memref<1x2x8192xf32, #tpu.memory_space<vmem>> -> memref<2x8192xf32, #tpu.memory_space<vmem>>
    tpu.wait_dma2 semaphore(%dma_wait3A_104 : memref<!tpu.dma_semaphore, #tpu.memory_space<semaphore_mem>>) src(%dma_wait3A_110 : memref<2x8192xf32, #tpu.memory_space<vmem>>) dst(%dma_wait3A_106 : memref<2x8192xf32, #tpu.memory_space<hbm>>)
    return
  }
}

</mosaic_0001>

<sc_bundles>
// kernel: kernel.3.cloned.1.call-start
scs
__scs_entry_jumppad:
0x0: {  	(pc) =	sbr.rel $0x88, $3  }
0x1: {  	(tag) =	ssettag $0x0;
	lr =	simm.s32 $0x1  }
0x2: {  	[smem:$0x3F9F] =	sst lr;
	_ =	strace $0xD0000000  }
0x3: {  	_ = 	snop  }
0x4: {  	_ = 	snop  }
0x5: {  	_ = 	snop  }
0x6: {  	_ = 	snop  }
0x7: {  	_ = 	snop  }
__scs_overlays_trampoline_lowered:
0x8: {  	[smem:$0x3FAE] =	sst s0  }
0x9: {  	[smem:$0x3FAF] =	sst s1  }
0xa: {  	[smem:$0x3FB0] =	sst s2  }
0xb: {  	[smem:$0x3FB1] =	sst s3  }
0xc: {  	[smem:$0x3FB2] =	sst s4  }
0xd: {  	[smem:$0x3FB3] =	sst s5  }
0xe: {  	[smem:$0x3FB4] =	sst s6  }
0xf: {  	[smem:$0x3FB5] =	sst s7  }
0x10: {  	[smem:$0x3FB6] =	sst s8  }
0x11: {  	[smem:$0x3FB7] =	sst s9;
	s0 =	simm.s32 @!p0 $0x0  }
0x12: {  	s1 =	sld [smem:$0x3F9D];
	s0 =	simm.s32 @p0 $0x1  }
0x13: {  	[smem:$0x3FB8] =	sst s0;
	s0 =	simm.s32 @!p1 $0x0  }
0x14: {  	s2 =	sld [smem:$0x3F9C];
	s0 =	simm.s32 @p1 $0x1  }
0x15: {  	[smem:$0x3FB9] =	sst s0;
	s0 =	simm.s32 @!p2 $0x0  }
0x16: {  	s3 =	sld [smem:$0x3FDB];
	s0 =	simm.s32 @p2 $0x1  }
0x17: {  	s4 =	simm.s32 $0x1BF5;
	[smem:$0x3FBB] =	sst s0  }
0x18: {  	s0 =	sld [smem:$0x3F9E];
	_ =	swait.ge [sflag:s4], $0x0  }
0x19: {  	s7 =	sld [smem:$0x3F9F]  }
0x1a: {  	s8 =	sadd.s32 $0xFFFFE003, lr  }
0x1b: {  	s9 =	sadd.s32 $0xFFFFFEF7, lr;
	s5 =	simm.s32 $0xFFFFFFFF;
	p2 =	slt.u32 s8, $0xFFFFF086  }
0x1c: {  	p1 =	slt.u32 s9, $0xF7A;
	s5 =	simm.s32 @!p2 $0x0  }
0x1d: {  	s5 =	simm.s32 @p1 $0x1;
	p0 =	seq.s32 s7, s2  }
0x1e: {  	s7 =	smul.u32 @!p0 $0xF7A, s2;
	p2 =	seq.s32 @!p0 s5, $0x0  }
0x1f: {  	s9 =	smul.u32 $0xF7A, s1;
	s8 =	simm.s32 @!p0 $0x1BF5;
	p2 =	por !p2, p0  }
0x20: {  	[sflag:s8] =	ssyncset.s32 @!p0 $0xFFFFF086;
	s6 =	sadd.s32 @!p0 s3, s7;
	s7 =	simm.s32 @!p0 $0x108  }
0x21: {  	s3 =	sadd.s32 s3, s9;
	s6 =	sadd.s32 @!p0 $0x88, s6;
	s7 =	simm.s32 @p2 $0x1082  }
0x22: {  	[simem:s7], [sflag:s8] =	dma.local @!p0 [hbm:s6], $0xF7A  }
0x23: {  	s9 =	sor.u32 $0xD0000000, s2;
	s6 =	simm.s32 $0x108;
	_ =	swait.ge @!p0 [sflag:s8], $0x0  }
0x24: {  	s3 =	sadd.s32 $0x88, s3;
	s6 =	simm.s32 @!p1 $0x1082;
	[sflag:s4] =	ssyncset.s32 $0xFFFFF086  }
0x25: {  	[simem:s6], [sflag:s4] =	dma.local [hbm:s3], $0xF7A  }
0x26: {  	[smem:$0x3F9F] =	sst s1;
	(tag) =	ssettag s2;
	_ =	strace s9  }
0x27: {  	s1 =	sld [smem:$0x3FAF]  }
0x28: {  	s2 =	sld [smem:$0x3FB0]  }
0x29: {  	s4 =	sld [smem:$0x3FB2]  }
0x2a: {  	p0 =	seq.s32 s5, $0x0;
	s5 =	sld [smem:$0x3FB3]  }
0x2b: {  	s6 =	sld [smem:$0x3FB4]  }
0x2c: {  	s7 =	sld [smem:$0x3FB5]  }
0x2d: {  	s3 =	simm.s32 $0x108;
	s8 =	sld [smem:$0x3FB6]  }
0x2e: {  	s3 =	simm.s32 @!p0 $0x1082;
	s9 =	sld [smem:$0x3FB7]  }
0x2f: {  	lr =	sadd.s32 s0, s3;
	s0 =	sld [smem:$0x3FAE]  }
0x30: {  	s3 =	sld [smem:$0x3FB1]  }
0x31: {  	[smem:$0x3FBA] =	sst s10  }
0x32: {  	s10 =	sld [smem:$0x3FB8];
	_ =	sdelay $0x3  }
0x33: {  	p0 =	seq.s32 s10, $0x1;
	s10 =	sld [smem:$0x3FBA];
	_ =	sdelay $0x3  }
0x34: {  	[smem:$0x3FBA] =	sst s10  }
0x35: {  	s10 =	sld [smem:$0x3FB9];
	_ =	sdelay $0x3  }
0x36: {  	p1 =	seq.s32 s10, $0x1;
	s10 =	sld [smem:$0x3FBA];
	_ =	sdelay $0x3  }
0x37: {  	[smem:$0x3FBA] =	sst s10  }
0x38: {  	s10 =	sld [smem:$0x3FBB]  }
0x39: {  	_ = 	snop;
	(pc) =	sbr.ind lr, $3  }
0x3a: {  	_ = 	snop  }
0x3b: {  	_ = 	snop  }
0x3c: {  	p2 =	seq.s32 s10, $0x1;
	s10 =	sld [smem:$0x3FBA]  }
0x3d: {  	_ =	shalt  }
0x3e: {  	_ =	shalt  }
0x3f: {  	_ =	shalt  }
0x40: {  	_ =	shalt  }
0x41: {  	_ =	shalt  }
0x42: {  	_ =	shalt  }
0x43: {  	_ =	shalt  }
0x44: {  	_ =	shalt  }
0x45: {  	_ =	shalt  }
0x46: {  	_ =	shalt  }
0x47: {  	_ =	shalt  }
0x48: {  	_ =	shalt  }
0x49: {  	_ =	shalt  }
0x4a: {  	_ =	shalt  }
0x4b: {  	_ =	shalt  }
0x4c: {  	_ =	shalt  }
0x4d: {  	_ =	shalt  }
0x4e: {  	_ =	shalt  }
0x4f: {  	_ =	shalt  }
0x50: {  	_ =	shalt  }
0x51: {  	_ =	shalt  }
0x52: {  	_ =	shalt  }
0x53: {  	_ =	shalt  }
0x54: {  	_ =	shalt  }
0x55: {  	_ =	shalt  }
0x56: {  	_ =	shalt  }
0x57: {  	_ =	shalt  }
0x58: {  	_ =	shalt  }
0x59: {  	_ =	shalt  }
0x5a: {  	_ =	shalt  }
0x5b: {  	_ =	shalt  }
0x5c: {  	_ =	shalt  }
0x5d: {  	_ =	shalt  }
0x5e: {  	_ =	shalt  }
0x5f: {  	_ =	shalt  }
0x60: {  	_ =	shalt  }
0x61: {  	_ =	shalt  }
0x62: {  	_ =	shalt  }
0x63: {  	_ =	shalt  }
0x64: {  	_ =	shalt  }
0x65: {  	_ =	shalt  }
0x66: {  	_ =	shalt  }
0x67: {  	_ =	shalt  }
0x68: {  	_ =	shalt  }
0x69: {  	_ =	shalt  }
0x6a: {  	_ =	shalt  }
0x6b: {  	_ =	shalt  }
0x6c: {  	_ =	shalt  }
0x6d: {  	_ =	shalt  }
0x6e: {  	_ =	shalt  }
0x6f: {  	_ =	shalt  }
0x70: {  	_ =	shalt  }
0x71: {  	_ =	shalt  }
0x72: {  	_ =	shalt  }
0x73: {  	_ =	shalt  }
0x74: {  	_ =	shalt  }
0x75: {  	_ =	shalt  }
0x76: {  	_ =	shalt  }
0x77: {  	_ =	shalt  }
0x78: {  	_ =	shalt  }
0x79: {  	_ =	shalt  }
0x7a: {  	_ =	shalt  }
0x7b: {  	_ =	shalt  }
0x7c: {  	_ =	shalt  }
0x7d: {  	_ =	shalt  }
0x7e: {  	_ =	shalt  }
0x7f: {  	_ =	shalt  }
0x80: {  	_ =	shalt  }
0x81: {  	_ =	shalt  }
0x82: {  	_ =	shalt  }
0x83: {  	_ =	shalt  }
0x84: {  	_ =	shalt  }
0x85: {  	_ =	shalt  }
0x86: {  	_ =	shalt  }
0x87: {  	_ =	shalt  }
.Lfunc_end0:
.L_simem_size_0:
called_computation_lowered:
.L_overlay_start_0:
0x88: {  	s2 =	sld [smem:$0x3FD9]  }
0x89: {  	s3 =	sld [smem:$0x3FFE];
	_ =	sdelay $0x1  }
0x8a: {  	s1 =	srdreg.scid  }
0x8b: {  	s0 =	sand.u32 $0x1, s1  }
0x8c: {  	s17 =	sshll.u32 s0, $0xA;
	s2 =	sadd.s32 s3, s2  }
0x8d: {  	s2 =	sadd.s32 s2, s17  }
0x8e: {  	[smem:$0x3FC6] =	sst s2  }
0x8f: {  	_ = 	snop  }
0x90: {  	s2 =	sld [smem:$0x3FC9]  }
0x91: {  	s18 =	sld [smem:$0x3FD0];
	(tm) =	ssettm $0x1  }
0x92: {  	s4 =	sld [smem:$0x3FFB];
	_ =	sdelay $0x3  }
0x93: {  	_ =	strace s4  }
0x94: {  	s4 =	sld [smem:$0x3FFC];
	_ =	sdelay $0x3  }
0x95: {  	_ =	strace s4  }
0x96: {  	s4 =	sld [smem:$0x3FFD];
	_ =	sdelay $0x3  }
0x97: {  	_ =	strace s4  }
0x98: {  	_ =	strace $0x8FFFFFFF  }
0x99: {  	s19 =	sld [smem:$0x3FDB];
	_ =	sdelay $0x1  }
0x9a: {  	s5 =	simm.s32 $_scs_section_size  }
0x9b: {  	s6 =	simm.s32 $_size__tile_overlayer_lowered;
	s7 =	simm.s32 $_tile_overlayer_lowered  }
0x9c: {  	s22 =	simm.s32 $0x1BFF;
	s21 =	sshll.u32 s7, $0x1;
	s4 =	sadd.s32 s5, s19  }
0x9d: {  	s8 =	simm.s32 $0x0;
	s20 =	sshll.u32 s6, $0x1;
	s6 =	sadd.s32 s21, s4  }
0x9e: {  	[timem:s8], [sflag:s22] =	dma.local [hbm:s6], s20  }
0x9f: {  	_ =	swait.ge [sflag:s22], s20  }
0xa0: {  	s5 =	ssub.s32 $0x0, s20;
	[sflag:s22] =	ssyncset.done $0x0  }
0xa1: {  	[sflag:s22] =	ssyncadd.s32 s5;
	_ =	sdelay $0x1  }
0xa2: {  	s23 =	simm.s32 $0x1B8B  }
0xa3: {  	_ =	swait.ge [sflag:s23], $0x1  }
0xa4: {  	[sflag:s23] =	ssyncset.done $0x0  }
0xa5: {  	s25 =	simm.s32 $0x1B8E;
	s24 =	sld [smem:$0x3FFE];
	[sflag:s23] =	ssyncadd.s32 $0xFFFFFFFF  }
0xa6: {  	s26 =	simm.s32 $execute0_lowered;
	[smem:$0x3FD2] =	sst s25  }
0xa7: {  	s6 =	sshll.u32 s26, $0x1;
	_ =	strace $0x80000046;
	[dreg:$0x1] =	wrdreg $0xFFFFFFFF  }
0xa8: {  	s28 =	simm.s32 $_size_execute0_lowered;
	s4 =	sadd.s32 s4, s6;
	[dreg:$0x0] =	wrdreg $0x0  }
0xa9: {  	s6 =	sshll.u32 s28, $0x1;
	[dreg:$0x2] =	wrdreg s4  }
0xaa: {  	[dreg:$0x3] =	wrdreg s6  }
0xab: {  	[dreg:$0x4] =	wrdreg $0xC0  }
0xac: {  	_ =	task [dreg:s8], $0x5FFFF  }
0xad: {  	[dreg:$0x1] =	wrdreg $0xFFFFFFFF  }
0xae: {  	[dreg:$0x0] =	wrdreg $0x60  }
0xaf: {  	[dreg:$0x2] =	wrdreg s2  }
0xb0: {  	[dreg:$0x3] =	wrdreg s24  }
0xb1: {  	[dreg:$0x4] =	wrdreg s18  }
0xb2: {  	[dreg:$0x5] =	wrdreg $0x9  }
0xb3: {  	_ =	task.clear_ibuf [dreg:s8], $0x6FFFF;
	_ =	strace $0x90000046  }
0xb4: {  	s29 =	simm.s32 $0x9;
	_ =	strace $0x80000048  }
0xb5: {  	_ =	swait.ge [sflag:s29], $0x1  }
0xb6: {  	[sflag:s29] =	ssyncadd.s32 $0xFFFFFFFF  }
0xb7: {  	_ =	strace $0x90000048  }
0xb8: {  	_ =	sfence  }
0xb9: {  	s30 =	sld [smem:$0x0];
	_ =	sdelay $0x2  }
0xba: {  	s31 =	sshll.u32 s1, $0xD;
	s1 =	sshrl.u32 s1, $0x2  }
0xbb: {  	s3 =	sand.u32 $0x4000, s31;
	s1 =	sadd.s32 s1, s30  }
0xbc: {  	s0 =	sor.u32 s3, s0;
	s1 =	sshll.u32 s1, $0x11  }
0xbd: {  	s0 =	sor.u32 s1, s0  }
0xbe: {  	s0 =	sadd.s32 $0x8F2B, s0  }
0xbf: {  	[sflag:s0] =	ssyncadd.remote.s32 $0x1  }
0xc0: {  	_ =	sfence.sel $0xFFFF  }
0xc1: {  	[dreg:$0x0] =	wrdreg $0xFFFFFFFF;
	(pc) =	sbr.abs _section_cstart, $3  }
0xc2: {  	[dreg:$0x1] =	wrdreg $0xFFFFFFFF  }
0xc3: {  	_ =	task.clear_ibuf [dreg:s8], $0x2FFFF;
	_ =	strace $0x9FFFFFFF  }
0xc4: {  	(tm) =	ssettm $0x7FFFFFFF  }
0xc5: {  	_ =	shalt  }
tec
execute0_lowered:
.L_overlay_start_1:
0x0: {  	(tag) =	ssettag $0x1  }
0x1: {  	s1 =	rddreg [dreg:$0x0]  }
0x2: {  	s4 =	rddreg [dreg:$0x1]  }
0x3: {  	s0 =	rddreg [dreg:$0x2];
	s3 =	simm.s32 $0x0  }
0x4: {  	s5 =	srdreg.scid;
	[smem:$0x7FF] =	sst s3;
	s7 =	sadd.s32 $0x60, s0  }
0x5: {  	s19 =	simm.s32 $0x2800;
	_ =	strace $0x80000047;
	[dreg:$0x4] =	wrdreg s7  }
0x6: {  	s2 =	stileid.u32;
	s21 =	simm.s32 $0x3000;
	[dreg:$0x7] =	wrdreg s19  }
0x7: {  	s22 =	simm.s32 $0x3800;
	s24 =	simm.s32 $0x4000;
	[dreg:$0x8] =	wrdreg s21  }
0x8: {  	s25 =	simm.s32 $0x4800;
	s26 =	simm.s32 $0x5000;
	[dreg:$0x9] =	wrdreg s22  }
0x9: {  	s10 =	simm.s32 $0x8000;
	s11 =	simm.s32 $0x8800;
	[dreg:$0xa] =	wrdreg s24  }
0xa: {  	s14 =	simm.s32 $0x9000;
	s6 =	sshll.u32 s2, $0x12;
	[dreg:$0xb] =	wrdreg s25  }
0xb: {  	s20 =	sshll.u32 s2, $0x1;
	s2 =	simm.s32 $0x5800;
	[dreg:$0xc] =	wrdreg s26  }
0xc: {  	s15 =	simm.s32 $0xB800;
	s16 =	simm.s32 $0xC000;
	[dreg:$0xd] =	wrdreg s2  }
0xd: {  	s17 =	simm.s32 $0xC800;
	s28 =	simm.s32 $0x7;
	[dreg:$0x11] =	wrdreg s10  }
0xe: {  	s29 =	simm.s32 $0x8;
	s30 =	simm.s32 $0x0;
	[dreg:$0x12] =	wrdreg s11  }
0xf: {  	s5 =	sand.u32 $0x1, s5;
	s8 =	sadd.s32 s6, s0;
	[dreg:$0x13] =	wrdreg s14  }
0x10: {  	s9 =	sshll.u32 s5, $0x11;
	s7 =	sor.u32 s5, s20;
	[dreg:$0x17] =	wrdreg s15  }
0x11: {  	s5 =	ssub.s32 $0x2, s5;
	s10 =	simm.s32 $0x9800;
	[dreg:$0x18] =	wrdreg s16  }
0x12: {  	s11 =	simm.s32 $0xA800;
	s14 =	simm.s32 $0xB000;
	[dreg:$0x19] =	wrdreg s17  }
0x13: {  	s19 =	simm.s32 $0xD000;
	s20 =	simm.s32 $0xD800;
	s15 =	simm.s32 $0x2000  }
0x14: {  	s21 =	simm.s32 $0xE800;
	s16 =	simm.s32 $0x6000;
	[dreg:$0x14] =	wrdreg s10  }
0x15: {  	s22 =	simm.s32 $0xF000;
	s17 =	simm.s32 $0x1;
	[dreg:$0x15] =	wrdreg s11  }
0x16: {  	s24 =	simm.s32 $0x10000;
	s25 =	simm.s32 $0x10800;
	[dreg:$0x16] =	wrdreg s14  }
0x17: {  	s26 =	simm.s32 $0x11000;
	s18 =	sadd.s32 s9, s8;
	[dreg:$0x1a] =	wrdreg s19  }
0x18: {  	s6 =	sor.u32 s9, s6;
	s23 =	sshll.u32 s7, $0xA;
	[dreg:$0x1b] =	wrdreg s20  }
0x19: {  	s31 =	sshrl.u32 s5, $0x1;
	s12 =	sshll.u32 s7, $0x11;
	[dreg:$0x1c] =	wrdreg s21  }
0x1a: {  	s7 =	simm.s32 $0x7000;
	s9 =	simm.s32 $0x7800;
	[dreg:$0x1d] =	wrdreg s22  }
0x1b: {  	s10 =	sadd.s32 $0x1800, s1;
	s11 =	sadd.s32 $0x1C00, s1;
	[dreg:$0x1f] =	wrdreg s24  }
0x1c: {  	s14 =	simm.s32 $0x9;
	s19 =	simm.s32 $0x400;
	[smem:$0x7FB] =	sst s25  }
0x1d: {  	s20 =	simm.s32 $0xA000;
	s21 =	simm.s32 $0x2;
	[smem:$0x7FC] =	sst s26  }
0x1e: {  	s22 =	simm.s32 $0xE000;
	s24 =	simm.s32 $0x4;
	[dreg:$0x5] =	wrdreg s18  }
0x1f: {  	s25 =	simm.s32 $0x5;
	s26 =	simm.s32 $0x6;
	[dreg:$0x6] =	wrdreg s6  }
0x20: {  	s4 =	sadd.s32 s23, s4;
	s13 =	ssub.s32 s5, s31;
	[dreg:$0xf] =	wrdreg s7  }
0x21: {  	s6 =	simm.s32 $0x6800;
	s5 =	sadd.s32 $0x400, s1;
	[dreg:$0x10] =	wrdreg s9  }
0x22: {  	s7 =	sadd.s32 $0xC00, s1;
	s23 =	simm.s32 $0xF800;
	[dreg:$0xe] =	wrdreg s6  }
0x23: {  	s9 =	sadd.s32 $0x1400, s1;
	s31 =	simm.s32 $0x11800;
	[dreg:$0x1e] =	wrdreg s23  }
0x24: {  	s0 =	sadd.s32 s12, s0;
	s8 =	sadd.s32 $0x400, s4;
	[smem:$0x7FD] =	sst s31  }
0x25: {  	v0 =	vlaneseq.u32;
	s6 =	sadd.s32 $0x800, s1;
	s0 =	sadd.s32 $0x1E060, s0;
	[smem:$0x7F8] =	sst s8  }
0x26: {  	v1 =	vshrl.u32 v0, $0x1;
	s18 =	smax.u32 s13, $0x1;
	s23 =	simm.s32 $0x3;
	[smem:$0x7F9] =	sst s0  }
0x27: {  	vm0 =	vmmov $0xffff;
	v0 =	vand.u32 $0x1, v0;
	v1 =	vmul.u32 $0x8, v1;
	s8 =	sadd.s32 $0x1000, s1;
	[smem:$0x7FA] =	sst s18;
	s18 =	simm.s32 $0x100  }
.LBB2_1:
0x28: {  	s0 =	sld [smem:$0x7F8];
	_ =	sdelay $0x2  }
0x29: {  	[tilespmem:s3], [sflag:$0x9] =	stream.linear.gather [hbm4b:s0+s3], $0x2000, $0x38;
	[tilespmem:$0x12000] =	vst v63  }
0x2a: {  	_ =	swait.ge [sflag:s14], $0x2000  }
0x2b: {  	[sflag:s14] =	ssyncset.done $0x0  }
0x2c: {  	s31 =	simm.s32 $0x100;
	s0 =	simm.s32 $0x0;
	[sflag:s14] =	ssyncadd.s32 $0xFFFFE000  }
.LBB2_2:
0x2d: {  	p0 =	seq.s32 s0, $0x0  }
0x2e: {  	s2 =	simm.s32 @!p0 $0x5  }
0x2f: {  	_ =	swait.ge @!p0 [sflag:s2], $0x4000  }
0x30: {  	[sflag:s2] =	ssyncset.done @!p0 $0x0  }
0x31: {  	[sflag:s2] =	ssyncadd.s32 @!p0 $0xFFFFC000  }
0x32: {  	v2 =	vld.msk [tilespmem:s31+$0xFFFFFF00], $0x3;
	_ =	sdelay $0x4  }
0x33: {  	v3 =	vshll.u32 v2, $0x6  }
0x34: {  	v2 =	vand.u32 $0x7, v2;
	v3 =	vand.u32 $0xFFFFFE00, v3  }
0x35: {  	v2 =	vor.u32 v2, v3  }
0x36: {  	v2 =	vperm.xlane v2, v0;
	_ =	sdelay $0x1  }
0x37: {  	v2 =	vadd.s32 v1, v2;
	_ =	sdelay $0x4  }
0x38: {  	[tilespmem:s15], [sflag:$0x1] =	stream.indirect_vreg.gather [hbm4b:s1+s3], $0x80, v2, vm0, $0xb8;
	[tilespmem:$0x12000] =	vst v63  }
0x39: {  	s12 =	rddreg [dreg:$0x7]  }
0x3a: {  	[tilespmem:s12], [sflag:$0x1] =	stream.indirect_vreg.gather [hbm4b:s5+s3], $0x80, v2, vm0, $0xb8;
	[tilespmem:$0x12000] =	vst v63  }
0x3b: {  	s4 =	rddreg [dreg:$0x8]  }
0x3c: {  	[tilespmem:s4], [sflag:$0x1] =	stream.indirect_vreg.gather [hbm4b:s6+s3], $0x80, v2, vm0, $0xb8;
	[tilespmem:$0x12000] =	vst v63  }
0x3d: {  	s13 =	rddreg [dreg:$0x9]  }
0x3e: {  	[tilespmem:s13], [sflag:$0x1] =	stream.indirect_vreg.gather [hbm4b:s7+s3], $0x80, v2, vm0, $0xb8;
	[tilespmem:$0x12000] =	vst v63  }
0x3f: {  	s12 =	rddreg [dreg:$0xa]  }
0x40: {  	[tilespmem:s12], [sflag:$0x1] =	stream.indirect_vreg.gather [hbm4b:s8+s3], $0x80, v2, vm0, $0xb8;
	[tilespmem:$0x12000] =	vst v63  }
0x41: {  	s13 =	rddreg [dreg:$0xb]  }
0x42: {  	[tilespmem:s13], [sflag:$0x1] =	stream.indirect_vreg.gather [hbm4b:s9+s3], $0x80, v2, vm0, $0xb8;
	[tilespmem:$0x12000] =	vst v63  }
0x43: {  	s12 =	rddreg [dreg:$0xc]  }
0x44: {  	[tilespmem:s12], [sflag:$0x1] =	stream.indirect_vreg.gather [hbm4b:s10+s3], $0x80, v2, vm0, $0xb8;
	[tilespmem:$0x12000] =	vst v63  }
0x45: {  	s2 =	simm.s32 @!p0 $0x4;
	s13 =	rddreg [dreg:$0xd]  }
0x46: {  	[tilespmem:s13], [sflag:$0x1] =	stream.indirect_vreg.gather [hbm4b:s11+s3], $0x80, v2, vm0, $0xb8;
	[tilespmem:$0x12000] =	vst v63  }
0x47: {  	_ =	swait.ge @!p0 [sflag:s2], $0x4000  }
0x48: {  	s4 =	rddreg [dreg:$0x6]  }
0x49: {  	s4 =	sadd.s32 @!p0 s0, s4  }
0x4a: {  	s13 =	simm.s32 @!p0 $0xE000;
	[sflag:s2] =	ssyncset.done @!p0 $0x0;
	s4 =	sadd.s32 @!p0 $0x1FFFE000, s4  }
0x4b: {  	s12 =	rddreg [dreg:$0x4];
	[sflag:s2] =	ssyncadd.s32 @!p0 $0xFFFFC000;
	s4 =	sand.u32 @!p0 $0x1FFFE000, s4  }
0x4c: {  	s2 =	sadd.s32 @!p0 s4, s12;
	s4 =	simm.s32 @!p0 $0x100;
	s12 =	simm.s32 @!p0 $0x400  }
0x4d: {  	[hbm4b:s2+s4] =	stream.strided.scatter @!p0 [tilespmem:s13], [sflag:$0x8], $0x4000, s12, s4, $0x38;
	[tilespmem:$0x12000] =	vst v63  }
0x4e: {  	s2 =	simm.s32 @!p0 $0x6  }
0x4f: {  	_ =	swait.ge @!p0 [sflag:s2], $0x4000  }
0x50: {  	[sflag:s2] =	ssyncset.done @!p0 $0x0  }
0x51: {  	[sflag:s2] =	ssyncadd.s32 @!p0 $0xFFFFC000  }
0x52: {  	v2 =	vld.msk [tilespmem:s31+$0xFFFFFF80], $0x3;
	_ =	sdelay $0x4  }
0x53: {  	v3 =	vshll.u32 v2, $0x6  }
0x54: {  	v2 =	vand.u32 $0x7, v2;
	v3 =	vand.u32 $0xFFFFFE00, v3  }
0x55: {  	v2 =	vor.u32 v2, v3  }
0x56: {  	v2 =	vperm.xlane v2, v0;
	_ =	sdelay $0x1  }
0x57: {  	v2 =	vadd.s32 v1, v2;
	_ =	sdelay $0x4  }
0x58: {  	[tilespmem:s16], [sflag:$0x2] =	stream.indirect_vreg.gather [hbm4b:s1+s3], $0x80, v2, vm0, $0xb8;
	[tilespmem:$0x12000] =	vst v63  }
0x59: {  	s4 =	rddreg [dreg:$0xe]  }
0x5a: {  	[tilespmem:s4], [sflag:$0x2] =	stream.indirect_vreg.gather [hbm4b:s5+s3], $0x80, v2, vm0, $0xb8;
	[tilespmem:$0x12000] =	vst v63  }
0x5b: {  	s12 =	rddreg [dreg:$0xf]  }
0x5c: {  	[tilespmem:s12], [sflag:$0x2] =	stream.indirect_vreg.gather [hbm4b:s6+s3], $0x80, v2, vm0, $0xb8;
	[tilespmem:$0x12000] =	vst v63  }
0x5d: {  	s13 =	rddreg [dreg:$0x10]  }
0x5e: {  	[tilespmem:s13], [sflag:$0x2] =	stream.indirect_vreg.gather [hbm4b:s7+s3], $0x80, v2, vm0, $0xb8;
	[tilespmem:$0x12000] =	vst v63  }
0x5f: {  	s12 =	rddreg [dreg:$0x11]  }
0x60: {  	[tilespmem:s12], [sflag:$0x2] =	stream.indirect_vreg.gather [hbm4b:s8+s3], $0x80, v2, vm0, $0xb8;
	[tilespmem:$0x12000] =	vst v63  }
0x61: {  	s13 =	rddreg [dreg:$0x12]  }
0x62: {  	[tilespmem:s13], [sflag:$0x2] =	stream.indirect_vreg.gather [hbm4b:s9+s3], $0x80, v2, vm0, $0xb8;
	[tilespmem:$0x12000] =	vst v63  }
0x63: {  	s12 =	rddreg [dreg:$0x13]  }
0x64: {  	[tilespmem:s12], [sflag:$0x2] =	stream.indirect_vreg.gather [hbm4b:s10+s3], $0x80, v2, vm0, $0xb8;
	[tilespmem:$0x12000] =	vst v63  }
0x65: {  	s13 =	rddreg [dreg:$0x14]  }
0x66: {  	[tilespmem:s13], [sflag:$0x2] =	stream.indirect_vreg.gather [hbm4b:s11+s3], $0x80, v2, vm0, $0xb8;
	[tilespmem:$0x12000] =	vst v63  }
0x67: {  	_ =	swait.ge [sflag:s17], $0x4000  }
0x68: {  	s12 =	rddreg [dreg:$0x5];
	[sflag:s17] =	ssyncset.done $0x0  }
0x69: {  	s4 =	simm.s32 @!p0 $0x7;
	[sflag:s17] =	ssyncadd.s32 $0xFFFFC000;
	s2 =	sadd.s32 s0, s12  }
0x6a: {  	[hbm4b:s2+s18] =	stream.strided.scatter [tilespmem:s15], [sflag:$0x5], $0x4000, s19, s18, $0x38;
	[tilespmem:$0x12000] =	vst v63  }
0x6b: {  	_ =	swait.ge @!p0 [sflag:s4], $0x4000  }
0x6c: {  	[sflag:s4] =	ssyncset.done @!p0 $0x0  }
0x6d: {  	[sflag:s4] =	ssyncadd.s32 @!p0 $0xFFFFC000  }
0x6e: {  	v2 =	vld.msk [tilespmem:s31+$0x0], $0x3;
	_ =	sdelay $0x4  }
0x6f: {  	v3 =	vshll.u32 v2, $0x6  }
0x70: {  	v2 =	vand.u32 $0x7, v2;
	v3 =	vand.u32 $0xFFFFFE00, v3  }
0x71: {  	v2 =	vor.u32 v2, v3  }
0x72: {  	v2 =	vperm.xlane v2, v0;
	_ =	sdelay $0x1  }
0x73: {  	v2 =	vadd.s32 v1, v2;
	_ =	sdelay $0x4  }
0x74: {  	[tilespmem:s20], [sflag:$0x3] =	stream.indirect_vreg.gather [hbm4b:s1+s3], $0x80, v2, vm0, $0xb8;
	[tilespmem:$0x12000] =	vst v63  }
0x75: {  	s13 =	rddreg [dreg:$0x15]  }
0x76: {  	[tilespmem:s13], [sflag:$0x3] =	stream.indirect_vreg.gather [hbm4b:s5+s3], $0x80, v2, vm0, $0xb8;
	[tilespmem:$0x12000] =	vst v63  }
0x77: {  	s12 =	rddreg [dreg:$0x16]  }
0x78: {  	[tilespmem:s12], [sflag:$0x3] =	stream.indirect_vreg.gather [hbm4b:s6+s3], $0x80, v2, vm0, $0xb8;
	[tilespmem:$0x12000] =	vst v63  }
0x79: {  	s13 =	rddreg [dreg:$0x17]  }
0x7a: {  	[tilespmem:s13], [sflag:$0x3] =	stream.indirect_vreg.gather [hbm4b:s7+s3], $0x80, v2, vm0, $0xb8;
	[tilespmem:$0x12000] =	vst v63  }
0x7b: {  	s12 =	rddreg [dreg:$0x18]  }
0x7c: {  	[tilespmem:s12], [sflag:$0x3] =	stream.indirect_vreg.gather [hbm4b:s8+s3], $0x80, v2, vm0, $0xb8;
	[tilespmem:$0x12000] =	vst v63  }
0x7d: {  	s13 =	rddreg [dreg:$0x19]  }
0x7e: {  	[tilespmem:s13], [sflag:$0x3] =	stream.indirect_vreg.gather [hbm4b:s9+s3], $0x80, v2, vm0, $0xb8;
	[tilespmem:$0x12000] =	vst v63  }
0x7f: {  	s12 =	rddreg [dreg:$0x1a]  }
0x80: {  	[tilespmem:s12], [sflag:$0x3] =	stream.indirect_vreg.gather [hbm4b:s10+s3], $0x80, v2, vm0, $0xb8;
	[tilespmem:$0x12000] =	vst v63  }
0x81: {  	s13 =	rddreg [dreg:$0x1b]  }
0x82: {  	[tilespmem:s13], [sflag:$0x3] =	stream.indirect_vreg.gather [hbm4b:s11+s3], $0x80, v2, vm0, $0xb8;
	[tilespmem:$0x12000] =	vst v63  }
0x83: {  	_ =	swait.ge [sflag:s21], $0x4000  }
0x84: {  	[sflag:s21] =	ssyncset.done $0x0  }
0x85: {  	s4 =	simm.s32 @!p0 $0x8;
	s12 =	sadd.s32 $0x20, s2;
	[sflag:s21] =	ssyncadd.s32 $0xFFFFC000  }
0x86: {  	[hbm4b:s12+s18] =	stream.strided.scatter [tilespmem:s16], [sflag:$0x6], $0x4000, s19, s18, $0x38;
	[tilespmem:$0x12000] =	vst v63  }
0x87: {  	_ =	swait.ge @!p0 [sflag:s4], $0x4000  }
0x88: {  	[sflag:s4] =	ssyncset.done @!p0 $0x0  }
0x89: {  	[sflag:s4] =	ssyncadd.s32 @!p0 $0xFFFFC000  }
0x8a: {  	v2 =	vld.msk [tilespmem:s31+$0x80], $0x3;
	_ =	sdelay $0x4  }
0x8b: {  	v3 =	vshll.u32 v2, $0x6  }
0x8c: {  	v2 =	vand.u32 $0x7, v2;
	v3 =	vand.u32 $0xFFFFFE00, v3  }
0x8d: {  	v2 =	vor.u32 v2, v3  }
0x8e: {  	v2 =	vperm.xlane v2, v0;
	_ =	sdelay $0x1  }
0x8f: {  	v2 =	vadd.s32 v1, v2;
	_ =	sdelay $0x3  }
0x90: {  	s13 =	rddreg [dreg:$0x1c]  }
0x91: {  	[tilespmem:s22], [sflag:$0x4] =	stream.indirect_vreg.gather [hbm4b:s1+s3], $0x80, v2, vm0, $0xb8;
	[tilespmem:$0x12000] =	vst v63  }
0x92: {  	s12 =	rddreg [dreg:$0x1d]  }
0x93: {  	[tilespmem:s13], [sflag:$0x4] =	stream.indirect_vreg.gather [hbm4b:s5+s3], $0x80, v2, vm0, $0xb8;
	[tilespmem:$0x12000] =	vst v63  }
0x94: {  	s13 =	rddreg [dreg:$0x1e]  }
0x95: {  	[tilespmem:s12], [sflag:$0x4] =	stream.indirect_vreg.gather [hbm4b:s6+s3], $0x80, v2, vm0, $0xb8;
	[tilespmem:$0x12000] =	vst v63  }
0x96: {  	s12 =	rddreg [dreg:$0x1f]  }
0x97: {  	[tilespmem:s13], [sflag:$0x4] =	stream.indirect_vreg.gather [hbm4b:s7+s3], $0x80, v2, vm0, $0xb8;
	[tilespmem:$0x12000] =	vst v63  }
0x98: {  	s13 =	sld [smem:$0x7FB]  }
0x99: {  	[tilespmem:s12], [sflag:$0x4] =	stream.indirect_vreg.gather [hbm4b:s8+s3], $0x80, v2, vm0, $0xb8;
	[tilespmem:$0x12000] =	vst v63  }
0x9a: {  	s12 =	sld [smem:$0x7FC]  }
0x9b: {  	[tilespmem:s13], [sflag:$0x4] =	stream.indirect_vreg.gather [hbm4b:s9+s3], $0x80, v2, vm0, $0xb8;
	[tilespmem:$0x12000] =	vst v63  }
0x9c: {  	s0 =	sadd.s32 $0x2000, s0;
	s13 =	sld [smem:$0x7FD]  }
0x9d: {  	[tilespmem:s12], [sflag:$0x4] =	stream.indirect_vreg.gather [hbm4b:s10+s3], $0x80, v2, vm0, $0xb8;
	[tilespmem:$0x12000] =	vst v63  }
0x9e: {  	p0 =	sne.s32 s0, $0x20000  }
0x9f: {  	[tilespmem:s13], [sflag:$0x4] =	stream.indirect_vreg.gather [hbm4b:s11+s3], $0x80, v2, vm0, $0xb8;
	[tilespmem:$0x12000] =	vst v63  }
.Ltmp0:
0xa0: {  	_ = 	snop;
	(pc) =	sbr.rel @p0 .LBB2_2-.Ltmp0, $4  }
0xa1: {  	_ =	swait.ge [sflag:s23], $0x4000  }
0xa2: {  	[sflag:s23] =	ssyncset.done $0x0  }
0xa3: {  	s2 =	sadd.s32 $0x40, s2;
	s31 =	sadd.s32 $0x200, s31;
	[sflag:s23] =	ssyncadd.s32 $0xFFFFC000  }
0xa4: {  	[hbm4b:s2+s18] =	stream.strided.scatter [tilespmem:s20], [sflag:$0x7], $0x4000, s19, s18, $0x38;
	[tilespmem:$0x12000] =	vst v63  }
0xa5: {  	_ =	swait.ge [sflag:s24], $0x4000  }
0xa6: {  	s0 =	sld [smem:$0x7F9]  }
0xa7: {  	[sflag:s24] =	ssyncset.done $0x0  }
0xa8: {  	[sflag:s24] =	ssyncadd.s32 $0xFFFFC000  }
0xa9: {  	[hbm4b:s0+s18] =	stream.strided.scatter [tilespmem:s22], [sflag:$0x8], $0x4000, s19, s18, $0x38;
	[tilespmem:$0x12000] =	vst v63  }
0xaa: {  	_ =	swait.ge [sflag:s25], $0x4000  }
0xab: {  	[sflag:s25] =	ssyncset.done $0x0  }
0xac: {  	[sflag:s25] =	ssyncadd.s32 $0xFFFFC000  }
0xad: {  	_ =	swait.ge [sflag:s26], $0x4000  }
0xae: {  	[sflag:s26] =	ssyncset.done $0x0  }
0xaf: {  	[sflag:s26] =	ssyncadd.s32 $0xFFFFC000  }
0xb0: {  	_ =	swait.ge [sflag:s28], $0x4000  }
0xb1: {  	[sflag:s28] =	ssyncset.done $0x0  }
0xb2: {  	[sflag:s28] =	ssyncadd.s32 $0xFFFFC000  }
0xb3: {  	_ =	swait.ge [sflag:s29], $0x4000  }
0xb4: {  	s31 =	sld [smem:$0x7FA];
	_ =	sdelay $0x1  }
0xb5: {  	s30 =	sadd.s32 $0x1, s30  }
0xb6: {  	p0 =	sne.s32 s30, s31  }
.Ltmp1:
0xb7: {  	_ = 	snop;
	(pc) =	sbr.rel @p0 .LBB2_1-.Ltmp1, $3  }
0xb8: {  	_ =	sdelay $0x1  }
0xb9: {  	[sflag:s29] =	ssyncset.done $0x0  }
0xba: {  	[sflag:s29] =	ssyncadd.s32 $0xFFFFC000  }
0xbb: {  	_ =	sfence.sel $0x180000  }
0xbc: {  	[bflag:$0x0] =	sbarrier.arrive $0xFFFF  }
0xbd: {  	_ =	strace $0x90000047  }
0xbe: {  	s0 =	stileid.u32;
	[bflag:$0x2] =	sbarrier.arrive $0xFFFF  }
0xbf: {  	p0 =	sne.s32 s0, $0x0;
	s0 =	rddreg [dreg:$0x3]  }
0xc0: {  	s0 =	sadd.s32 @!p0 $0x100000, s0  }
0xc1: {  	[sflag:s0] =	ssyncadd.tile.s32 @!p0 $0x1;
	_ =	shalt  }
.Lfunc_end2:
_tile_overlayer_lowered:
.L_overlay_start_2:
0xc2: {  	(tag) =	ssettag $0x2  }
0xc3: {  	s0 =	rddreg [dreg:$0x0];
	s2 =	stileid.u32  }
0xc4: {  	s1 =	rddreg [dreg:$0x1];
	p0 =	sne.s32 s2, $0x0  }
0xc5: {  	s3 =	rddreg [dreg:$0x2];
	[bflag:$0x3] =	sbarrier.arrive $0xFFFF;
	s2 =	simm.s32 @!p0 $0x1C09  }
0xc6: {  	[timem:s3], [sflag:s2] =	dma.local @!p0 [hbm:s0], s1  }
0xc7: {  	s0 =	simm.s32 @!p0 $0x9  }
0xc8: {  	_ =	swait.ge @!p0 [sflag:s0], s1  }
0xc9: {  	s1 =	ssub.s32 @!p0 $0x0, s1;
	[sflag:s0] =	ssyncset.done @!p0 $0x0  }
0xca: {  	[sflag:s0] =	ssyncadd.s32 @!p0 s1  }
0xcb: {  	[bflag:$0x3] =	sbarrier.arrive $0xFFFF  }
0xcc: {  	_ =	shalt  }

</sc_bundles>
